<compile_context>
chip_gen: v7x
topology: tpu7x:2x2x1
jax: 0.10.2.dev20260603
libtpu: 0.0.44.dev20260713+nightly
codegen_flags: <defaults>
</compile_context>

<pallas_src>
import functools

import jax
import jax.numpy as jnp
from jax import lax
from jax.experimental import pallas as pl
from jax.experimental.pallas import tpu as pltpu
from jax.experimental.pallas import tpu_sc as plsc

N = 10000
E = 320000
D = 128

NC = 2
NS = 16
L = 16
NW = NC * NS

NP = 10240
ROWS = E // 128
TROWS = 80
LAST_ROWS = 16
TAIL_ROWS = ROWS - (NW - 1) * TROWS - LAST_ROWS
SLICE = NP // NS


def _matvec_body(feat_ref, w_ref, b_ref, out_ref):
    dn = (((1,), (1,)), ((), ()))
    out_ref[...] = (
        lax.dot_general(w_ref[...], feat_ref[...], dn,
                        preferred_element_type=jnp.float32) + b_ref[...])


_matvec_call = pl.pallas_call(
    _matvec_body,
    out_shape=jax.ShapeDtypeStruct((1, N), jnp.float32),
)


@functools.cache
def _make_edge_kernel():
    mesh = plsc.VectorSubcoreMesh(core_axis_name="c", subcore_axis_name="s")

    @functools.partial(
        pl.kernel,
        out_type=(
            jax.ShapeDtypeStruct((1, NC * NP), jnp.float32),
            jax.ShapeDtypeStruct((1, NC * NP), jnp.float32),
        ),
        mesh=mesh,
        scratch_types=[
            pltpu.VMEM((2, TROWS * 128), jnp.int32),
            pltpu.VMEM((TROWS * 128,), jnp.float32),
            pltpu.VMEM((N,), jnp.float32),
            pltpu.VMEM((SLICE,), jnp.float32),
            pltpu.VMEM((128,), jnp.float32),
            pltpu.VMEM((2, 128), jnp.int32),
            pltpu.VMEM((8, 128), jnp.float32),
            pltpu.VMEM_SHARED((NP,), jnp.float32),
            pltpu.VMEM_SHARED((NP,), jnp.float32),
            pltpu.SemaphoreType.DMA,
        ],
        compiler_params=pltpu.CompilerParams(needs_layout_passes=False),
    )
    def _edge_kernel(fdst_hbm, edge_hbm, seg_out, deg_out,
                     ev, vals_v, table_v, zeros_v, ones_v,
                     tev, tvals_v,
                     seg_sh, deg_sh, ssem):
        cid = lax.axis_index("c")
        sid = lax.axis_index("s")
        wid = sid * NC + cid
        col0 = wid * TROWS * 128

        @pl.loop(0, SLICE // L)
        def _(i):
            zeros_v[pl.ds(i * L, L)] = jnp.zeros((L,), jnp.float32)

        for i in range(128 // L):
            ones_v[pl.ds(i * L, L)] = jnp.ones((L,), jnp.float32)

        pltpu.async_copy(fdst_hbm.at[0], table_v, ssem)

        @pl.when(wid < NW - 1)
        def _():
            pltpu.async_copy(edge_hbm.at[:, pl.ds(col0, TROWS * 128)], ev,
                             ssem)

        @pl.when(wid == NW - 1)
        def _():
            pltpu.async_copy(edge_hbm.at[:, pl.ds(col0, LAST_ROWS * 128)],
                             ev.at[:, pl.ds(0, LAST_ROWS * 128)], ssem)

        @pl.when(wid >= NW - TAIL_ROWS)
        def _():
            base = ((NW - 1) * TROWS + LAST_ROWS + wid - (NW - TAIL_ROWS))
            pltpu.async_copy(edge_hbm.at[:, pl.ds(base * 128, 128)], tev,
                             ssem)

        pltpu.sync_copy(zeros_v, seg_sh.at[pl.ds(sid * SLICE, SLICE)])
        pltpu.sync_copy(zeros_v, deg_sh.at[pl.ds(sid * SLICE, SLICE)])

        pltpu.make_async_copy(fdst_hbm.at[0], table_v, ssem).wait()

        @pl.when(wid < NW - 1)
        def _():
            pltpu.make_async_copy(
                edge_hbm.at[:, pl.ds(col0, TROWS * 128)], ev, ssem).wait()

        @pl.when(wid == NW - 1)
        def _():
            pltpu.make_async_copy(
                edge_hbm.at[:, pl.ds(col0, LAST_ROWS * 128)],
                ev.at[:, pl.ds(0, LAST_ROWS * 128)], ssem).wait()

        @pl.when(wid >= NW - TAIL_ROWS)
        def _():
            base = ((NW - 1) * TROWS + LAST_ROWS + wid - (NW - TAIL_ROWS))
            pltpu.make_async_copy(edge_hbm.at[:, pl.ds(base * 128, 128)],
                                  tev, ssem).wait()

        plsc.subcore_barrier()

        def do_row(j):
            for k in range(128 // L):
                p = j * 128 + k * L
                idx = ev[0, pl.ds(p, L)]
                vals_v[pl.ds(p, L)] = plsc.load_gather(table_v, [idx])
            didx = ev.at[1, pl.ds(j * 128, 128)]
            pltpu.async_copy(vals_v.at[pl.ds(j * 128, 128)],
                             seg_sh.at[didx], ssem, add=True)
            pltpu.async_copy(ones_v, deg_sh.at[didx], ssem, add=True)

        @pl.loop(0, LAST_ROWS)
        def _(j):
            do_row(j)

        @pl.when(wid < NW - 1)
        def _():
            @pl.loop(LAST_ROWS, TROWS)
            def _(j):
                do_row(j)

        @pl.when(wid >= NW - TAIL_ROWS)
        def _():
            for k in range(128 // L):
                idx = tev[0, pl.ds(k * L, L)]
                tvals_v[0, pl.ds(k * L, L)] = plsc.load_gather(table_v, [idx])
            tidx = tev.at[1]
            pltpu.async_copy(tvals_v.at[0], seg_sh.at[tidx], ssem, add=True)
            pltpu.async_copy(ones_v, deg_sh.at[tidx], ssem, add=True)

        @pl.when(wid < NW - 1)
        def _():
            for _i in range(2):
                pltpu.make_async_copy(
                    seg_out.at[0, pl.ds(0, TROWS * 128)], vals_v, ssem).wait()

        @pl.when(wid == NW - 1)
        def _():
            for _i in range(2):
                pltpu.make_async_copy(
                    seg_out.at[0, pl.ds(0, LAST_ROWS * 128)],
                    vals_v.at[pl.ds(0, LAST_ROWS * 128)], ssem).wait()

        @pl.when(wid >= NW - TAIL_ROWS)
        def _():
            for _i in range(2):
                pltpu.make_async_copy(
                    seg_out.at[0, pl.ds(0, 128)], tvals_v.at[0], ssem).wait()

        plsc.subcore_barrier()

        out0 = cid * NP + sid * SLICE
        pltpu.sync_copy(seg_sh.at[pl.ds(sid * SLICE, SLICE)],
                        seg_out.at[0, pl.ds(out0, SLICE)])
        pltpu.sync_copy(deg_sh.at[pl.ds(sid * SLICE, SLICE)],
                        deg_out.at[0, pl.ds(out0, SLICE)])

    return _edge_kernel


def _final_body(fsrc_ref, seg_ref, deg_ref, out_ref):
    fsrc = fsrc_ref[0]
    seg = seg_ref[0]
    deg = deg_ref[0]
    seg_sum = seg[:N] + seg[NP:NP + N]
    deg_sum = deg[:N] + deg[NP:NP + N]
    feat_d = jax.nn.relu(seg_sum + fsrc) + 1.0
    g_u = jax.nn.relu(fsrc) + 1.0
    degree = jnp.maximum(deg_sum, 1.0)
    p1 = jnp.sqrt(degree) * feat_d * g_u
    out_ref[0, :] = p1 * (float(int(N * 0.25)) / jnp.sum(p1))


_final_call = pl.pallas_call(
    _final_body,
    out_shape=jax.ShapeDtypeStruct((1, N), jnp.float32),
)


def kernel(feat, edge_index, W_l, b_l, W_r, b_r):
    fdst = _matvec_call(feat, W_r, b_r)
    seg, deg = _make_edge_kernel()(fdst, edge_index)
    fsrc = _matvec_call(feat, W_l, b_l)
    p1 = _final_call(fsrc, seg, deg)
    return p1.reshape(N, 1)

# --- scband reference (transcript-rebuilt; emitter-appended) ---
"""Pipeline reference for scband-gatsample-14250701488902 (READ-ONLY COPY).

The authoritative reference and input builder live on the scoring server;
editing this copy changes nothing except your own understanding.
"""

import jax, jax.numpy as jnp
import numpy as np

N = 10000
E = 320000
D = 128

def setup_inputs(seed: int = 0) -> dict:
    key = jax.random.key(seed)
    k1, k2, k3, k4, k5, k6 = jax.random.split(key, 6)
    feat = jax.random.normal(k1, (N, D), dtype=jnp.float32)
    edge_index = jax.random.randint(k2, (2, E), 0, N, dtype=jnp.int32)
    # learned params for attn_l / attn_r (nn.Linear(in_feats, 1))
    gain = float(np.sqrt(2.0))  # calculate_gain('relu')
    std = gain * float(np.sqrt(2.0 / (D + 1)))
    W_l = jax.random.normal(k3, (1, D), dtype=jnp.float32) * std
    b_l = jnp.zeros((1,), dtype=jnp.float32)
    W_r = jax.random.normal(k4, (1, D), dtype=jnp.float32) * std
    b_r = jnp.zeros((1,), dtype=jnp.float32)
    return {"feat": feat, "edge_index": edge_index, "W_l": W_l, "b_l": b_l, "W_r": W_r, "b_r": b_r}

def reference(feat, edge_index, W_l, b_l, W_r, b_r):
    n = feat.shape[0]
    feat_src = feat @ W_l.T + b_l            # [N, 1]
    feat_dst = feat @ W_r.T + b_r            # [N, 1]
    src = edge_index[0]
    dst = edge_index[1]
    # update_all(copy_u('h'), sum): gather source node scalar, scatter-add to dst
    feat_d = jax.ops.segment_sum(feat_dst[src], dst, num_segments=n)  # [N, 1]
    feat_d = jax.nn.relu(feat_d + feat_src) + 1.0
    g_u = jax.nn.relu(feat_src) + 1.0
    degree = jnp.clip(jnp.bincount(dst, length=n).astype(jnp.float32), 1.0, None)
    p1 = jnp.power(degree, 0.5) * jnp.squeeze(feat_d) * jnp.squeeze(g_u)
    p1 = p1 / jnp.sum(p1) * int(n * 0.25)
    return p1[:, None]

if __name__ == "__main__":
    import jax
    _d = setup_inputs()
    print(jax.jit(kernel)(*tuple(_d.values())))

</pallas_src>

<mosaic_0001>
#map = affine_map<(d0, d1) -> (0, 0)>
module attributes {stable_mosaic.version = 14 : i64} {
  func.func @_edge_kernel(%arg0: i32, %arg1: i32, %arg2: memref<1x10000xf32, #tpu.memory_space<hbm>>, %arg3: memref<2x320000xi32, #tpu.memory_space<hbm>>, %arg4: memref<1x20480xf32, #tpu.memory_space<hbm>>, %arg5: memref<1x20480xf32, #tpu.memory_space<hbm>>, %arg6: memref<2x10240xi32, #tpu.memory_space<vmem>>, %arg7: memref<10240xf32, #tpu.memory_space<vmem>>, %arg8: memref<10000xf32, #tpu.memory_space<vmem>>, %arg9: memref<640xf32, #tpu.memory_space<vmem>>, %arg10: memref<128xf32, #tpu.memory_space<vmem>>, %arg11: memref<2x128xi32, #tpu.memory_space<vmem>>, %arg12: memref<8x128xf32, #tpu.memory_space<vmem>>, %arg13: memref<10240xf32, #tpu.memory_space<vmem_shared>>, %arg14: memref<10240xf32, #tpu.memory_space<vmem_shared>>, %arg15: memref<!tpu.dma_semaphore, #tpu.memory_space<semaphore_mem>>) attributes {dimension_semantics = [#tpu.dimension_semantics<core_parallel>, #tpu.dimension_semantics<subcore_parallel>], iteration_bounds = array<i64: 2, 16>, scalar_prefetch = 0 : i64, scratch_operands = 10 : i64, tpu.core_type = #tpu.core_type<sc_vector_subcore>, window_params = [{transform_indices = #map}, {transform_indices = #map}, {transform_indices = #map}, {transform_indices = #map}]} {
    %mul3A = arith.constant 2 : i32
    %mul3A_0 = arith.muli %arg1, %mul3A : i32
    %add3A = arith.addi %mul3A_0, %arg0 : i32
    %mul3A_1 = arith.constant 80 : i32
    %mul3A_2 = arith.muli %add3A, %mul3A_1 : i32
    %mul3A_3 = arith.constant 128 : i32
    %mul3A_4 = arith.muli %mul3A_2, %mul3A_3 : i32
    %scan3A = arith.constant 0 : i32
    %scan3A_5 = arith.constant 40 : i32
    %scan3A_6 = arith.addi %scan3A, %scan3A_5 : i32
    %scan3A_7 = arith.constant 1 : i32
    scf.for %scan3A_121 = %scan3A to %scan3A_6 step %scan3A_7  : i32 {
      %mul3A_122 = arith.constant 1 : i32
      %mul3A_123 = arith.muli %scan3A_121, %mul3A_122 : i32
      %add3A_124 = arith.constant 0 : i32
      %add3A_125 = arith.addi %add3A_124, %mul3A_123 : i32
      %broadcast_in_dim3A_126 = arith.constant 0.000000e+00 : f32
      %broadcast_in_dim3A_127 = vector.broadcast %broadcast_in_dim3A_126 : f32 to vector<16xf32>
      %mul3A_128 = arith.constant 16 : i32
      %mul3A_129 = arith.muli %add3A_125, %mul3A_128 : i32
      %swap3A_130 = arith.index_cast %mul3A_129 : i32 to index
      %swap3A_131 = tpu.vector_load %arg9[%swap3A_130] {strides = array<i32>} : memref<640xf32, #tpu.memory_space<vmem>>, vector<16xf32>,
      tpu.vector_store %arg9[%swap3A_130], %broadcast_in_dim3A_127 {strides = array<i32>} : memref<640xf32, #tpu.memory_space<vmem>>, vector<16xf32>,
    }
    %scan3A_8 = arith.constant 40 : i32
    %broadcast_in_dim3A = arith.constant 1.000000e+00 : f32
    %broadcast_in_dim3A_9 = vector.broadcast %broadcast_in_dim3A : f32 to vector<16xf32>
    %swap3A = arith.constant 0 : index
    %swap3A_10 = tpu.vector_load %arg10[%swap3A] {strides = array<i32>} : memref<128xf32, #tpu.memory_space<vmem>>, vector<16xf32>,
    tpu.vector_store %arg10[%swap3A], %broadcast_in_dim3A_9 {strides = array<i32>} : memref<128xf32, #tpu.memory_space<vmem>>, vector<16xf32>,
    %broadcast_in_dim3A_11 = arith.constant 1.000000e+00 : f32
    %broadcast_in_dim3A_12 = vector.broadcast %broadcast_in_dim3A_11 : f32 to vector<16xf32>
    %swap3A_13 = arith.constant 16 : index
    %swap3A_14 = tpu.vector_load %arg10[%swap3A_13] {strides = array<i32>} : memref<128xf32, #tpu.memory_space<vmem>>, vector<16xf32>,
    tpu.vector_store %arg10[%swap3A_13], %broadcast_in_dim3A_12 {strides = array<i32>} : memref<128xf32, #tpu.memory_space<vmem>>, vector<16xf32>,
    %broadcast_in_dim3A_15 = arith.constant 1.000000e+00 : f32
    %broadcast_in_dim3A_16 = vector.broadcast %broadcast_in_dim3A_15 : f32 to vector<16xf32>
    %swap3A_17 = arith.constant 32 : index
    %swap3A_18 = tpu.vector_load %arg10[%swap3A_17] {strides = array<i32>} : memref<128xf32, #tpu.memory_space<vmem>>, vector<16xf32>,
    tpu.vector_store %arg10[%swap3A_17], %broadcast_in_dim3A_16 {strides = array<i32>} : memref<128xf32, #tpu.memory_space<vmem>>, vector<16xf32>,
    %broadcast_in_dim3A_19 = arith.constant 1.000000e+00 : f32
    %broadcast_in_dim3A_20 = vector.broadcast %broadcast_in_dim3A_19 : f32 to vector<16xf32>
    %swap3A_21 = arith.constant 48 : index
    %swap3A_22 = tpu.vector_load %arg10[%swap3A_21] {strides = array<i32>} : memref<128xf32, #tpu.memory_space<vmem>>, vector<16xf32>,
    tpu.vector_store %arg10[%swap3A_21], %broadcast_in_dim3A_20 {strides = array<i32>} : memref<128xf32, #tpu.memory_space<vmem>>, vector<16xf32>,
    %broadcast_in_dim3A_23 = arith.constant 1.000000e+00 : f32
    %broadcast_in_dim3A_24 = vector.broadcast %broadcast_in_dim3A_23 : f32 to vector<16xf32>
    %swap3A_25 = arith.constant 64 : index
    %swap3A_26 = tpu.vector_load %arg10[%swap3A_25] {strides = array<i32>} : memref<128xf32, #tpu.memory_space<vmem>>, vector<16xf32>,
    tpu.vector_store %arg10[%swap3A_25], %broadcast_in_dim3A_24 {strides = array<i32>} : memref<128xf32, #tpu.memory_space<vmem>>, vector<16xf32>,
    %broadcast_in_dim3A_27 = arith.constant 1.000000e+00 : f32
    %broadcast_in_dim3A_28 = vector.broadcast %broadcast_in_dim3A_27 : f32 to vector<16xf32>
    %swap3A_29 = arith.constant 80 : index
    %swap3A_30 = tpu.vector_load %arg10[%swap3A_29] {strides = array<i32>} : memref<128xf32, #tpu.memory_space<vmem>>, vector<16xf32>,
    tpu.vector_store %arg10[%swap3A_29], %broadcast_in_dim3A_28 {strides = array<i32>} : memref<128xf32, #tpu.memory_space<vmem>>, vector<16xf32>,
    %broadcast_in_dim3A_31 = arith.constant 1.000000e+00 : f32
    %broadcast_in_dim3A_32 = vector.broadcast %broadcast_in_dim3A_31 : f32 to vector<16xf32>
    %swap3A_33 = arith.constant 96 : index
    %swap3A_34 = tpu.vector_load %arg10[%swap3A_33] {strides = array<i32>} : memref<128xf32, #tpu.memory_space<vmem>>, vector<16xf32>,
    tpu.vector_store %arg10[%swap3A_33], %broadcast_in_dim3A_32 {strides = array<i32>} : memref<128xf32, #tpu.memory_space<vmem>>, vector<16xf32>,
    %broadcast_in_dim3A_35 = arith.constant 1.000000e+00 : f32
    %broadcast_in_dim3A_36 = vector.broadcast %broadcast_in_dim3A_35 : f32 to vector<16xf32>
    %swap3A_37 = arith.constant 112 : index
    %swap3A_38 = tpu.vector_load %arg10[%swap3A_37] {strides = array<i32>} : memref<128xf32, #tpu.memory_space<vmem>>, vector<16xf32>,
    tpu.vector_store %arg10[%swap3A_37], %broadcast_in_dim3A_36 {strides = array<i32>} : memref<128xf32, #tpu.memory_space<vmem>>, vector<16xf32>,
    %dma_start3A = arith.constant 0 : i32
    %dma_start3A_39 = arith.constant 0 : i32
    %dma_start3A_40 = tpu.memref_slice %arg2[%dma_start3A, %dma_start3A_39] : memref<1x10000xf32, #tpu.memory_space<hbm>> -> memref<1x10000xf32, #tpu.memory_space<hbm>>
    %dma_start3A_41 = tpu.memref_squeeze %dma_start3A_40 : memref<1x10000xf32, #tpu.memory_space<hbm>> -> memref<10000xf32, #tpu.memory_space<hbm>>
    %dma_start3A_42 = arith.constant 0 : i32
    %dma_start3A_43 = tpu.memref_slice %arg2[%dma_start3A, %dma_start3A_42] : memref<1x10000xf32, #tpu.memory_space<hbm>> -> memref<1x10000xf32, #tpu.memory_space<hbm>>
    %dma_start3A_44 = tpu.memref_squeeze %dma_start3A_43 : memref<1x10000xf32, #tpu.memory_space<hbm>> -> memref<10000xf32, #tpu.memory_space<hbm>>
    tpu.enqueue_dma source(%dma_start3A_44 : memref<10000xf32, #tpu.memory_space<hbm>>) target(%arg8 : memref<10000xf32, #tpu.memory_space<vmem>>) target_semaphore(%arg15 : memref<!tpu.dma_semaphore, #tpu.memory_space<semaphore_mem>>)
    %lt3A = arith.constant 31 : i32
    %lt3A_45 = arith.cmpi slt, %add3A, %lt3A : i32
    %convert_element_type3A = arith.extui %lt3A_45 : i1 to i32
    %cond3A = arith.constant 0 : i32
    %cond3A_46 = arith.cmpi ne, %convert_element_type3A, %cond3A : i32
    scf.if %cond3A_46 {
      %dma_start3A_121 = arith.constant 0 : i32
      %dma_start3A_122 = tpu.memref_slice %arg3[%dma_start3A_121, %mul3A_4] : memref<2x320000xi32, #tpu.memory_space<hbm>> -> memref<2x10240xi32, #tpu.memory_space<hbm>>
      %dma_start3A_123 = arith.constant 0 : i32
      %dma_start3A_124 = tpu.memref_slice %arg3[%dma_start3A_123, %mul3A_4] : memref<2x320000xi32, #tpu.memory_space<hbm>> -> memref<2x10240xi32, #tpu.memory_space<hbm>>
      tpu.enqueue_dma source(%dma_start3A_124 : memref<2x10240xi32, #tpu.memory_space<hbm>>) target(%arg6 : memref<2x10240xi32, #tpu.memory_space<vmem>>) target_semaphore(%arg15 : memref<!tpu.dma_semaphore, #tpu.memory_space<semaphore_mem>>)
    } else {
    }
    %eq3A = arith.constant 31 : i32
    %eq3A_47 = arith.cmpi eq, %add3A, %eq3A : i32
    %convert_element_type3A_48 = arith.extui %eq3A_47 : i1 to i32
    %cond3A_49 = arith.constant 0 : i32
    %cond3A_50 = arith.cmpi ne, %convert_element_type3A_48, %cond3A_49 : i32
    scf.if %cond3A_50 {
      %dma_start3A_121 = arith.constant 0 : i32
      %dma_start3A_122 = arith.constant 0 : i32
      %dma_start3A_123 = tpu.memref_slice %arg6[%dma_start3A_121, %dma_start3A_122] : memref<2x10240xi32, #tpu.memory_space<vmem>> -> memref<2x2048xi32, #tpu.memory_space<vmem>>
      %dma_start3A_124 = arith.constant 0 : i32
      %dma_start3A_125 = tpu.memref_slice %arg3[%dma_start3A_124, %mul3A_4] : memref<2x320000xi32, #tpu.memory_space<hbm>> -> memref<2x2048xi32, #tpu.memory_space<hbm>>
      %dma_start3A_126 = arith.constant 0 : i32
      %dma_start3A_127 = arith.constant 0 : i32
      %dma_start3A_128 = tpu.memref_slice %arg6[%dma_start3A_126, %dma_start3A_127] : memref<2x10240xi32, #tpu.memory_space<vmem>> -> memref<2x2048xi32, #tpu.memory_space<vmem>>
      %dma_start3A_129 = arith.constant 0 : i32
      %dma_start3A_130 = tpu.memref_slice %arg3[%dma_start3A_129, %mul3A_4] : memref<2x320000xi32, #tpu.memory_space<hbm>> -> memref<2x2048xi32, #tpu.memory_space<hbm>>
      tpu.enqueue_dma source(%dma_start3A_130 : memref<2x2048xi32, #tpu.memory_space<hbm>>) target(%dma_start3A_128 : memref<2x2048xi32, #tpu.memory_space<vmem>>) target_semaphore(%arg15 : memref<!tpu.dma_semaphore, #tpu.memory_space<semaphore_mem>>)
    } else {
    }
    %ge3A = arith.constant 28 : i32
    %ge3A_51 = arith.cmpi sge, %add3A, %ge3A : i32
    %convert_element_type3A_52 = arith.extui %ge3A_51 : i1 to i32
    %cond3A_53 = arith.constant 0 : i32
    %cond3A_54 = arith.cmpi ne, %convert_element_type3A_52, %cond3A_53 : i32
    scf.if %cond3A_54 {
      %add3A_121 = arith.constant 2496 : i32
      %add3A_122 = arith.addi %add3A_121, %add3A : i32
      %sub3A = arith.constant 28 : i32
      %sub3A_123 = arith.subi %add3A_122, %sub3A : i32
      %mul3A_124 = arith.constant 128 : i32
      %mul3A_125 = arith.muli %sub3A_123, %mul3A_124 : i32
      %dma_start3A_126 = arith.constant 0 : i32
      %dma_start3A_127 = tpu.memref_slice %arg3[%dma_start3A_126, %mul3A_125] : memref<2x320000xi32, #tpu.memory_space<hbm>> -> memref<2x128xi32, #tpu.memory_space<hbm>>
      %dma_start3A_128 = arith.constant 0 : i32
      %dma_start3A_129 = tpu.memref_slice %arg3[%dma_start3A_128, %mul3A_125] : memref<2x320000xi32, #tpu.memory_space<hbm>> -> memref<2x128xi32, #tpu.memory_space<hbm>>
      tpu.enqueue_dma source(%dma_start3A_129 : memref<2x128xi32, #tpu.memory_space<hbm>>) target(%arg11 : memref<2x128xi32, #tpu.memory_space<vmem>>) target_semaphore(%arg15 : memref<!tpu.dma_semaphore, #tpu.memory_space<semaphore_mem>>)
    } else {
    }
    %mul3A_55 = arith.constant 640 : i32
    %mul3A_56 = arith.muli %arg1, %mul3A_55 : i32
    "tpu.region"() ({
      %run_scoped3A_121 = tpu.sem_alloc : memref<!tpu.dma_semaphore, #tpu.memory_space<semaphore_mem>>
      %dma_start3A_122 = tpu.memref_slice %arg13[%mul3A_56] : memref<10240xf32, #tpu.memory_space<vmem_shared>> -> memref<640xf32, #tpu.memory_space<vmem_shared>>
      %dma_start3A_123 = tpu.memref_slice %arg13[%mul3A_56] : memref<10240xf32, #tpu.memory_space<vmem_shared>> -> memref<640xf32, #tpu.memory_space<vmem_shared>>
      tpu.enqueue_dma source(%arg9 : memref<640xf32, #tpu.memory_space<vmem>>) target(%dma_start3A_123 : memref<640xf32, #tpu.memory_space<vmem_shared>>) target_semaphore(%run_scoped3A_121 : memref<!tpu.dma_semaphore, #tpu.memory_space<semaphore_mem>>)
      %dma_wait3A_124 = tpu.memref_slice %arg13[%mul3A_56] : memref<10240xf32, #tpu.memory_space<vmem_shared>> -> memref<640xf32, #tpu.memory_space<vmem_shared>>
      %dma_wait3A_125 = tpu.memref_slice %arg13[%mul3A_56] : memref<10240xf32, #tpu.memory_space<vmem_shared>> -> memref<640xf32, #tpu.memory_space<vmem_shared>>
      tpu.wait_dma2 semaphore(%run_scoped3A_121 : memref<!tpu.dma_semaphore, #tpu.memory_space<semaphore_mem>>) src(%arg9 : memref<640xf32, #tpu.memory_space<vmem>>) dst(%dma_wait3A_125 : memref<640xf32, #tpu.memory_space<vmem_shared>>)
      tpu.yield
    }) : () -> ()
    %mul3A_57 = arith.constant 640 : i32
    %mul3A_58 = arith.muli %arg1, %mul3A_57 : i32
    "tpu.region"() ({
      %run_scoped3A_121 = tpu.sem_alloc : memref<!tpu.dma_semaphore, #tpu.memory_space<semaphore_mem>>
      %dma_start3A_122 = tpu.memref_slice %arg14[%mul3A_58] : memref<10240xf32, #tpu.memory_space<vmem_shared>> -> memref<640xf32, #tpu.memory_space<vmem_shared>>
      %dma_start3A_123 = tpu.memref_slice %arg14[%mul3A_58] : memref<10240xf32, #tpu.memory_space<vmem_shared>> -> memref<640xf32, #tpu.memory_space<vmem_shared>>
      tpu.enqueue_dma source(%arg9 : memref<640xf32, #tpu.memory_space<vmem>>) target(%dma_start3A_123 : memref<640xf32, #tpu.memory_space<vmem_shared>>) target_semaphore(%run_scoped3A_121 : memref<!tpu.dma_semaphore, #tpu.memory_space<semaphore_mem>>)
      %dma_wait3A_124 = tpu.memref_slice %arg14[%mul3A_58] : memref<10240xf32, #tpu.memory_space<vmem_shared>> -> memref<640xf32, #tpu.memory_space<vmem_shared>>
      %dma_wait3A_125 = tpu.memref_slice %arg14[%mul3A_58] : memref<10240xf32, #tpu.memory_space<vmem_shared>> -> memref<640xf32, #tpu.memory_space<vmem_shared>>
      tpu.wait_dma2 semaphore(%run_scoped3A_121 : memref<!tpu.dma_semaphore, #tpu.memory_space<semaphore_mem>>) src(%arg9 : memref<640xf32, #tpu.memory_space<vmem>>) dst(%dma_wait3A_125 : memref<640xf32, #tpu.memory_space<vmem_shared>>)
      tpu.yield
    }) : () -> ()
    %dma_wait3A = arith.constant 0 : i32
    %dma_wait3A_59 = arith.constant 0 : i32
    %dma_wait3A_60 = tpu.memref_slice %arg2[%dma_wait3A, %dma_wait3A_59] : memref<1x10000xf32, #tpu.memory_space<hbm>> -> memref<1x10000xf32, #tpu.memory_space<hbm>>
    %dma_wait3A_61 = tpu.memref_squeeze %dma_wait3A_60 : memref<1x10000xf32, #tpu.memory_space<hbm>> -> memref<10000xf32, #tpu.memory_space<hbm>>
    %dma_wait3A_62 = arith.constant 0 : i32
    %dma_wait3A_63 = tpu.memref_slice %arg2[%dma_wait3A, %dma_wait3A_62] : memref<1x10000xf32, #tpu.memory_space<hbm>> -> memref<1x10000xf32, #tpu.memory_space<hbm>>
    %dma_wait3A_64 = tpu.memref_squeeze %dma_wait3A_63 : memref<1x10000xf32, #tpu.memory_space<hbm>> -> memref<10000xf32, #tpu.memory_space<hbm>>
    tpu.wait_dma2 semaphore(%arg15 : memref<!tpu.dma_semaphore, #tpu.memory_space<semaphore_mem>>) src(%dma_wait3A_64 : memref<10000xf32, #tpu.memory_space<hbm>>) dst(%arg8 : memref<10000xf32, #tpu.memory_space<vmem>>)
    %lt3A_65 = arith.constant 31 : i32
    %lt3A_66 = arith.cmpi slt, %add3A, %lt3A_65 : i32
    %convert_element_type3A_67 = arith.extui %lt3A_66 : i1 to i32
    %cond3A_68 = arith.constant 0 : i32
    %cond3A_69 = arith.cmpi ne, %convert_element_type3A_67, %cond3A_68 : i32
    scf.if %cond3A_69 {
      %dma_wait3A_121 = arith.constant 0 : i32
      %dma_wait3A_122 = tpu.memref_slice %arg3[%dma_wait3A_121, %mul3A_4] : memref<2x320000xi32, #tpu.memory_space<hbm>> -> memref<2x10240xi32, #tpu.memory_space<hbm>>
      %dma_wait3A_123 = arith.constant 0 : i32
      %dma_wait3A_124 = tpu.memref_slice %arg3[%dma_wait3A_123, %mul3A_4] : memref<2x320000xi32, #tpu.memory_space<hbm>> -> memref<2x10240xi32, #tpu.memory_space<hbm>>
      tpu.wait_dma2 semaphore(%arg15 : memref<!tpu.dma_semaphore, #tpu.memory_space<semaphore_mem>>) src(%dma_wait3A_124 : memref<2x10240xi32, #tpu.memory_space<hbm>>) dst(%arg6 : memref<2x10240xi32, #tpu.memory_space<vmem>>)
    } else {
    }
    %eq3A_70 = arith.constant 31 : i32
    %eq3A_71 = arith.cmpi eq, %add3A, %eq3A_70 : i32
    %convert_element_type3A_72 = arith.extui %eq3A_71 : i1 to i32
    %cond3A_73 = arith.constant 0 : i32
    %cond3A_74 = arith.cmpi ne, %convert_element_type3A_72, %cond3A_73 : i32
    scf.if %cond3A_74 {
      %dma_wait3A_121 = arith.constant 0 : i32
      %dma_wait3A_122 = arith.constant 0 : i32
      %dma_wait3A_123 = tpu.memref_slice %arg6[%dma_wait3A_121, %dma_wait3A_122] : memref<2x10240xi32, #tpu.memory_space<vmem>> -> memref<2x2048xi32, #tpu.memory_space<vmem>>
      %dma_wait3A_124 = arith.constant 0 : i32
      %dma_wait3A_125 = tpu.memref_slice %arg3[%dma_wait3A_124, %mul3A_4] : memref<2x320000xi32, #tpu.memory_space<hbm>> -> memref<2x2048xi32, #tpu.memory_space<hbm>>
      %dma_wait3A_126 = arith.constant 0 : i32
      %dma_wait3A_127 = arith.constant 0 : i32
      %dma_wait3A_128 = tpu.memref_slice %arg6[%dma_wait3A_126, %dma_wait3A_127] : memref<2x10240xi32, #tpu.memory_space<vmem>> -> memref<2x2048xi32, #tpu.memory_space<vmem>>
      %dma_wait3A_129 = arith.constant 0 : i32
      %dma_wait3A_130 = tpu.memref_slice %arg3[%dma_wait3A_129, %mul3A_4] : memref<2x320000xi32, #tpu.memory_space<hbm>> -> memref<2x2048xi32, #tpu.memory_space<hbm>>
      tpu.wait_dma2 semaphore(%arg15 : memref<!tpu.dma_semaphore, #tpu.memory_space<semaphore_mem>>) src(%dma_wait3A_130 : memref<2x2048xi32, #tpu.memory_space<hbm>>) dst(%dma_wait3A_128 : memref<2x2048xi32, #tpu.memory_space<vmem>>)
    } else {
    }
    %ge3A_75 = arith.constant 28 : i32
    %ge3A_76 = arith.cmpi sge, %add3A, %ge3A_75 : i32
    %convert_element_type3A_77 = arith.extui %ge3A_76 : i1 to i32
    %cond3A_78 = arith.constant 0 : i32
    %cond3A_79 = arith.cmpi ne, %convert_element_type3A_77, %cond3A_78 : i32
    scf.if %cond3A_79 {
      %add3A_121 = arith.constant 2496 : i32
      %add3A_122 = arith.addi %add3A_121, %add3A : i32
      %sub3A = arith.constant 28 : i32
      %sub3A_123 = arith.subi %add3A_122, %sub3A : i32
      %mul3A_124 = arith.constant 128 : i32
      %mul3A_125 = arith.muli %sub3A_123, %mul3A_124 : i32
      %dma_wait3A_126 = arith.constant 0 : i32
      %dma_wait3A_127 = tpu.memref_slice %arg3[%dma_wait3A_126, %mul3A_125] : memref<2x320000xi32, #tpu.memory_space<hbm>> -> memref<2x128xi32, #tpu.memory_space<hbm>>
      %dma_wait3A_128 = arith.constant 0 : i32
      %dma_wait3A_129 = tpu.memref_slice %arg3[%dma_wait3A_128, %mul3A_125] : memref<2x320000xi32, #tpu.memory_space<hbm>> -> memref<2x128xi32, #tpu.memory_space<hbm>>
      tpu.wait_dma2 semaphore(%arg15 : memref<!tpu.dma_semaphore, #tpu.memory_space<semaphore_mem>>) src(%dma_wait3A_129 : memref<2x128xi32, #tpu.memory_space<hbm>>) dst(%arg11 : memref<2x128xi32, #tpu.memory_space<vmem>>)
    } else {
    }
    %barrier3A = arith.constant 0 : index
    tpu.barrier barrier_id(%barrier3A)
    %scan3A_80 = arith.constant 0 : i32
    %scan3A_81 = arith.constant 16 : i32
    %scan3A_82 = arith.addi %scan3A_80, %scan3A_81 : i32
    %scan3A_83 = arith.constant 1 : i32
    scf.for %scan3A_121 = %scan3A_80 to %scan3A_82 step %scan3A_83  : i32 {
      %mul3A_122 = arith.constant 1 : i32
      %mul3A_123 = arith.muli %scan3A_121, %mul3A_122 : i32
      %add3A_124 = arith.constant 0 : i32
      %add3A_125 = arith.addi %add3A_124, %mul3A_123 : i32
      %mul3A_126 = arith.constant 128 : i32
      %mul3A_127 = arith.muli %add3A_125, %mul3A_126 : i32
      %add3A_128 = arith.constant 0 : i32
      %add3A_129 = arith.addi %mul3A_127, %add3A_128 : i32
      %get3A = arith.constant 0 : i32
      %get3A_130 = arith.index_cast %get3A : i32 to index
      %get3A_131 = arith.index_cast %add3A_129 : i32 to index
      %get3A_132 = tpu.vector_load %arg6[%get3A_130, %get3A_131] {strides = array<i32>} : memref<2x10240xi32, #tpu.memory_space<vmem>>, vector<16xi32>,
      %gather3A = tpu.vector_load_idx %arg8[%get3A_132] : memref<10000xf32, #tpu.memory_space<vmem>>[vector<16xi32>], vector<16xf32>,
      %swap3A_133 = arith.index_cast %add3A_129 : i32 to index
      %swap3A_134 = tpu.vector_load %arg7[%swap3A_133] {strides = array<i32>} : memref<10240xf32, #tpu.memory_space<vmem>>, vector<16xf32>,
      tpu.vector_store %arg7[%swap3A_133], %gather3A {strides = array<i32>} : memref<10240xf32, #tpu.memory_space<vmem>>, vector<16xf32>,
      %mul3A_135 = arith.constant 128 : i32
      %mul3A_136 = arith.muli %add3A_125, %mul3A_135 : i32
      %add3A_137 = arith.constant 16 : i32
      %add3A_138 = arith.addi %mul3A_136, %add3A_137 : i32
      %get3A_139 = arith.constant 0 : i32
      %get3A_140 = arith.index_cast %get3A_139 : i32 to index
      %get3A_141 = arith.index_cast %add3A_138 : i32 to index
      %get3A_142 = tpu.vector_load %arg6[%get3A_140, %get3A_141] {strides = array<i32>} : memref<2x10240xi32, #tpu.memory_space<vmem>>, vector<16xi32>,
      %gather3A_143 = tpu.vector_load_idx %arg8[%get3A_142] : memref<10000xf32, #tpu.memory_space<vmem>>[vector<16xi32>], vector<16xf32>,
      %swap3A_144 = arith.index_cast %add3A_138 : i32 to index
      %swap3A_145 = tpu.vector_load %arg7[%swap3A_144] {strides = array<i32>} : memref<10240xf32, #tpu.memory_space<vmem>>, vector<16xf32>,
      tpu.vector_store %arg7[%swap3A_144], %gather3A_143 {strides = array<i32>} : memref<10240xf32, #tpu.memory_space<vmem>>, vector<16xf32>,
      %mul3A_146 = arith.constant 128 : i32
      %mul3A_147 = arith.muli %add3A_125, %mul3A_146 : i32
      %add3A_148 = arith.constant 32 : i32
      %add3A_149 = arith.addi %mul3A_147, %add3A_148 : i32
      %get3A_150 = arith.constant 0 : i32
      %get3A_151 = arith.index_cast %get3A_150 : i32 to index
      %get3A_152 = arith.index_cast %add3A_149 : i32 to index
      %get3A_153 = tpu.vector_load %arg6[%get3A_151, %get3A_152] {strides = array<i32>} : memref<2x10240xi32, #tpu.memory_space<vmem>>, vector<16xi32>,
      %gather3A_154 = tpu.vector_load_idx %arg8[%get3A_153] : memref<10000xf32, #tpu.memory_space<vmem>>[vector<16xi32>], vector<16xf32>,
      %swap3A_155 = arith.index_cast %add3A_149 : i32 to index
      %swap3A_156 = tpu.vector_load %arg7[%swap3A_155] {strides = array<i32>} : memref<10240xf32, #tpu.memory_space<vmem>>, vector<16xf32>,
      tpu.vector_store %arg7[%swap3A_155], %gather3A_154 {strides = array<i32>} : memref<10240xf32, #tpu.memory_space<vmem>>, vector<16xf32>,
      %mul3A_157 = arith.constant 128 : i32
      %mul3A_158 = arith.muli %add3A_125, %mul3A_157 : i32
      %add3A_159 = arith.constant 48 : i32
      %add3A_160 = arith.addi %mul3A_158, %add3A_159 : i32
      %get3A_161 = arith.constant 0 : i32
      %get3A_162 = arith.index_cast %get3A_161 : i32 to index
      %get3A_163 = arith.index_cast %add3A_160 : i32 to index
      %get3A_164 = tpu.vector_load %arg6[%get3A_162, %get3A_163] {strides = array<i32>} : memref<2x10240xi32, #tpu.memory_space<vmem>>, vector<16xi32>,
      %gather3A_165 = tpu.vector_load_idx %arg8[%get3A_164] : memref<10000xf32, #tpu.memory_space<vmem>>[vector<16xi32>], vector<16xf32>,
      %swap3A_166 = arith.index_cast %add3A_160 : i32 to index
      %swap3A_167 = tpu.vector_load %arg7[%swap3A_166] {strides = array<i32>} : memref<10240xf32, #tpu.memory_space<vmem>>, vector<16xf32>,
      tpu.vector_store %arg7[%swap3A_166], %gather3A_165 {strides = array<i32>} : memref<10240xf32, #tpu.memory_space<vmem>>, vector<16xf32>,
      %mul3A_168 = arith.constant 128 : i32
      %mul3A_169 = arith.muli %add3A_125, %mul3A_168 : i32
      %add3A_170 = arith.constant 64 : i32
      %add3A_171 = arith.addi %mul3A_169, %add3A_170 : i32
      %get3A_172 = arith.constant 0 : i32
      %get3A_173 = arith.index_cast %get3A_172 : i32 to index
      %get3A_174 = arith.index_cast %add3A_171 : i32 to index
      %get3A_175 = tpu.vector_load %arg6[%get3A_173, %get3A_174] {strides = array<i32>} : memref<2x10240xi32, #tpu.memory_space<vmem>>, vector<16xi32>,
      %gather3A_176 = tpu.vector_load_idx %arg8[%get3A_175] : memref<10000xf32, #tpu.memory_space<vmem>>[vector<16xi32>], vector<16xf32>,
      %swap3A_177 = arith.index_cast %add3A_171 : i32 to index
      %swap3A_178 = tpu.vector_load %arg7[%swap3A_177] {strides = array<i32>} : memref<10240xf32, #tpu.memory_space<vmem>>, vector<16xf32>,
      tpu.vector_store %arg7[%swap3A_177], %gather3A_176 {strides = array<i32>} : memref<10240xf32, #tpu.memory_space<vmem>>, vector<16xf32>,
      %mul3A_179 = arith.constant 128 : i32
      %mul3A_180 = arith.muli %add3A_125, %mul3A_179 : i32
      %add3A_181 = arith.constant 80 : i32
      %add3A_182 = arith.addi %mul3A_180, %add3A_181 : i32
      %get3A_183 = arith.constant 0 : i32
      %get3A_184 = arith.index_cast %get3A_183 : i32 to index
      %get3A_185 = arith.index_cast %add3A_182 : i32 to index
      %get3A_186 = tpu.vector_load %arg6[%get3A_184, %get3A_185] {strides = array<i32>} : memref<2x10240xi32, #tpu.memory_space<vmem>>, vector<16xi32>,
      %gather3A_187 = tpu.vector_load_idx %arg8[%get3A_186] : memref<10000xf32, #tpu.memory_space<vmem>>[vector<16xi32>], vector<16xf32>,
      %swap3A_188 = arith.index_cast %add3A_182 : i32 to index
      %swap3A_189 = tpu.vector_load %arg7[%swap3A_188] {strides = array<i32>} : memref<10240xf32, #tpu.memory_space<vmem>>, vector<16xf32>,
      tpu.vector_store %arg7[%swap3A_188], %gather3A_187 {strides = array<i32>} : memref<10240xf32, #tpu.memory_space<vmem>>, vector<16xf32>,
      %mul3A_190 = arith.constant 128 : i32
      %mul3A_191 = arith.muli %add3A_125, %mul3A_190 : i32
      %add3A_192 = arith.constant 96 : i32
      %add3A_193 = arith.addi %mul3A_191, %add3A_192 : i32
      %get3A_194 = arith.constant 0 : i32
      %get3A_195 = arith.index_cast %get3A_194 : i32 to index
      %get3A_196 = arith.index_cast %add3A_193 : i32 to index
      %get3A_197 = tpu.vector_load %arg6[%get3A_195, %get3A_196] {strides = array<i32>} : memref<2x10240xi32, #tpu.memory_space<vmem>>, vector<16xi32>,
      %gather3A_198 = tpu.vector_load_idx %arg8[%get3A_197] : memref<10000xf32, #tpu.memory_space<vmem>>[vector<16xi32>], vector<16xf32>,
      %swap3A_199 = arith.index_cast %add3A_193 : i32 to index
      %swap3A_200 = tpu.vector_load %arg7[%swap3A_199] {strides = array<i32>} : memref<10240xf32, #tpu.memory_space<vmem>>, vector<16xf32>,
      tpu.vector_store %arg7[%swap3A_199], %gather3A_198 {strides = array<i32>} : memref<10240xf32, #tpu.memory_space<vmem>>, vector<16xf32>,
      %mul3A_201 = arith.constant 128 : i32
      %mul3A_202 = arith.muli %add3A_125, %mul3A_201 : i32
      %add3A_203 = arith.constant 112 : i32
      %add3A_204 = arith.addi %mul3A_202, %add3A_203 : i32
      %get3A_205 = arith.constant 0 : i32
      %get3A_206 = arith.index_cast %get3A_205 : i32 to index
      %get3A_207 = arith.index_cast %add3A_204 : i32 to index
      %get3A_208 = tpu.vector_load %arg6[%get3A_206, %get3A_207] {strides = array<i32>} : memref<2x10240xi32, #tpu.memory_space<vmem>>, vector<16xi32>,
      %gather3A_209 = tpu.vector_load_idx %arg8[%get3A_208] : memref<10000xf32, #tpu.memory_space<vmem>>[vector<16xi32>], vector<16xf32>,
      %swap3A_210 = arith.index_cast %add3A_204 : i32 to index
      %swap3A_211 = tpu.vector_load %arg7[%swap3A_210] {strides = array<i32>} : memref<10240xf32, #tpu.memory_space<vmem>>, vector<16xf32>,
      tpu.vector_store %arg7[%swap3A_210], %gather3A_209 {strides = array<i32>} : memref<10240xf32, #tpu.memory_space<vmem>>, vector<16xf32>,
      %mul3A_212 = arith.constant 128 : i32
      %mul3A_213 = arith.muli %add3A_125, %mul3A_212 : i32
      %mul3A_214 = arith.constant 128 : i32
      %mul3A_215 = arith.muli %add3A_125, %mul3A_214 : i32
      %dma_start3A_216 = arith.constant 1 : i32
      %dma_start3A_217 = tpu.memref_slice %arg7[%mul3A_215] : memref<10240xf32, #tpu.memory_space<vmem>> -> memref<128xf32, #tpu.memory_space<vmem>>
      %dma_start3A_218 = tpu.memref_slice %arg6[%dma_start3A_216, %mul3A_213] : memref<2x10240xi32, #tpu.memory_space<vmem>> -> memref<1x128xi32, #tpu.memory_space<vmem>>
      %dma_start3A_219 = tpu.memref_squeeze %dma_start3A_218 : memref<1x128xi32, #tpu.memory_space<vmem>> -> memref<128xi32, #tpu.memory_space<vmem>>
      %dma_start3A_220 = arith.constant 0 : i32
      %dma_start3A_221 = tpu.memref_slice %arg13[%dma_start3A_220] : memref<10240xf32, #tpu.memory_space<vmem_shared>> -> memref<10240xf32, #tpu.memory_space<vmem_shared>>
      tpu.enqueue_indirect_dma source(%dma_start3A_217 : memref<128xf32, #tpu.memory_space<vmem>>) target(%dma_start3A_221 : memref<10240xf32, #tpu.memory_space<vmem_shared>>) offsets(%dma_start3A_219 : memref<128xi32, #tpu.memory_space<vmem>>) semaphore(%arg15 : memref<!tpu.dma_semaphore, #tpu.memory_space<semaphore_mem>>) {add = true}
      %dma_start3A_222 = arith.constant 1 : i32
      %dma_start3A_223 = tpu.memref_slice %arg6[%dma_start3A_222, %mul3A_213] : memref<2x10240xi32, #tpu.memory_space<vmem>> -> memref<1x128xi32, #tpu.memory_space<vmem>>
      %dma_start3A_224 = tpu.memref_squeeze %dma_start3A_223 : memref<1x128xi32, #tpu.memory_space<vmem>> -> memref<128xi32, #tpu.memory_space<vmem>>
      %dma_start3A_225 = arith.constant 0 : i32
      %dma_start3A_226 = tpu.memref_slice %arg14[%dma_start3A_225] : memref<10240xf32, #tpu.memory_space<vmem_shared>> -> memref<10240xf32, #tpu.memory_space<vmem_shared>>
      tpu.enqueue_indirect_dma source(%arg10 : memref<128xf32, #tpu.memory_space<vmem>>) target(%dma_start3A_226 : memref<10240xf32, #tpu.memory_space<vmem_shared>>) offsets(%dma_start3A_224 : memref<128xi32, #tpu.memory_space<vmem>>) semaphore(%arg15 : memref<!tpu.dma_semaphore, #tpu.memory_space<semaphore_mem>>) {add = true}
    }
    %scan3A_84 = arith.constant 16 : i32
    %lt3A_85 = arith.constant 31 : i32
    %lt3A_86 = arith.cmpi slt, %add3A, %lt3A_85 : i32
    %convert_element_type3A_87 = arith.extui %lt3A_86 : i1 to i32
    %cond3A_88 = arith.constant 0 : i32
    %cond3A_89 = arith.cmpi ne, %convert_element_type3A_87, %cond3A_88 : i32
    scf.if %cond3A_89 {
      %scan3A_121 = arith.constant 0 : i32
      %scan3A_122 = arith.constant 64 : i32
      %scan3A_123 = arith.addi %scan3A_121, %scan3A_122 : i32
      %scan3A_124 = arith.constant 1 : i32
      scf.for %scan3A_126 = %scan3A_121 to %scan3A_123 step %scan3A_124  : i32 {
        %mul3A_127 = arith.constant 1 : i32
        %mul3A_128 = arith.muli %scan3A_126, %mul3A_127 : i32
        %add3A_129 = arith.constant 16 : i32
        %add3A_130 = arith.addi %add3A_129, %mul3A_128 : i32
        %mul3A_131 = arith.constant 128 : i32
        %mul3A_132 = arith.muli %add3A_130, %mul3A_131 : i32
        %add3A_133 = arith.constant 0 : i32
        %add3A_134 = arith.addi %mul3A_132, %add3A_133 : i32
        %get3A = arith.constant 0 : i32
        %get3A_135 = arith.index_cast %get3A : i32 to index
        %get3A_136 = arith.index_cast %add3A_134 : i32 to index
        %get3A_137 = tpu.vector_load %arg6[%get3A_135, %get3A_136] {strides = array<i32>} : memref<2x10240xi32, #tpu.memory_space<vmem>>, vector<16xi32>,
        %gather3A = tpu.vector_load_idx %arg8[%get3A_137] : memref<10000xf32, #tpu.memory_space<vmem>>[vector<16xi32>], vector<16xf32>,
        %swap3A_138 = arith.index_cast %add3A_134 : i32 to index
        %swap3A_139 = tpu.vector_load %arg7[%swap3A_138] {strides = array<i32>} : memref<10240xf32, #tpu.memory_space<vmem>>, vector<16xf32>,
        tpu.vector_store %arg7[%swap3A_138], %gather3A {strides = array<i32>} : memref<10240xf32, #tpu.memory_space<vmem>>, vector<16xf32>,
        %mul3A_140 = arith.constant 128 : i32
        %mul3A_141 = arith.muli %add3A_130, %mul3A_140 : i32
        %add3A_142 = arith.constant 16 : i32
        %add3A_143 = arith.addi %mul3A_141, %add3A_142 : i32
        %get3A_144 = arith.constant 0 : i32
        %get3A_145 = arith.index_cast %get3A_144 : i32 to index
        %get3A_146 = arith.index_cast %add3A_143 : i32 to index
        %get3A_147 = tpu.vector_load %arg6[%get3A_145, %get3A_146] {strides = array<i32>} : memref<2x10240xi32, #tpu.memory_space<vmem>>, vector<16xi32>,
        %gather3A_148 = tpu.vector_load_idx %arg8[%get3A_147] : memref<10000xf32, #tpu.memory_space<vmem>>[vector<16xi32>], vector<16xf32>,
        %swap3A_149 = arith.index_cast %add3A_143 : i32 to index
        %swap3A_150 = tpu.vector_load %arg7[%swap3A_149] {strides = array<i32>} : memref<10240xf32, #tpu.memory_space<vmem>>, vector<16xf32>,
        tpu.vector_store %arg7[%swap3A_149], %gather3A_148 {strides = array<i32>} : memref<10240xf32, #tpu.memory_space<vmem>>, vector<16xf32>,
        %mul3A_151 = arith.constant 128 : i32
        %mul3A_152 = arith.muli %add3A_130, %mul3A_151 : i32
        %add3A_153 = arith.constant 32 : i32
        %add3A_154 = arith.addi %mul3A_152, %add3A_153 : i32
        %get3A_155 = arith.constant 0 : i32
        %get3A_156 = arith.index_cast %get3A_155 : i32 to index
        %get3A_157 = arith.index_cast %add3A_154 : i32 to index
        %get3A_158 = tpu.vector_load %arg6[%get3A_156, %get3A_157] {strides = array<i32>} : memref<2x10240xi32, #tpu.memory_space<vmem>>, vector<16xi32>,
        %gather3A_159 = tpu.vector_load_idx %arg8[%get3A_158] : memref<10000xf32, #tpu.memory_space<vmem>>[vector<16xi32>], vector<16xf32>,
        %swap3A_160 = arith.index_cast %add3A_154 : i32 to index
        %swap3A_161 = tpu.vector_load %arg7[%swap3A_160] {strides = array<i32>} : memref<10240xf32, #tpu.memory_space<vmem>>, vector<16xf32>,
        tpu.vector_store %arg7[%swap3A_160], %gather3A_159 {strides = array<i32>} : memref<10240xf32, #tpu.memory_space<vmem>>, vector<16xf32>,
        %mul3A_162 = arith.constant 128 : i32
        %mul3A_163 = arith.muli %add3A_130, %mul3A_162 : i32
        %add3A_164 = arith.constant 48 : i32
        %add3A_165 = arith.addi %mul3A_163, %add3A_164 : i32
        %get3A_166 = arith.constant 0 : i32
        %get3A_167 = arith.index_cast %get3A_166 : i32 to index
        %get3A_168 = arith.index_cast %add3A_165 : i32 to index
        %get3A_169 = tpu.vector_load %arg6[%get3A_167, %get3A_168] {strides = array<i32>} : memref<2x10240xi32, #tpu.memory_space<vmem>>, vector<16xi32>,
        %gather3A_170 = tpu.vector_load_idx %arg8[%get3A_169] : memref<10000xf32, #tpu.memory_space<vmem>>[vector<16xi32>], vector<16xf32>,
        %swap3A_171 = arith.index_cast %add3A_165 : i32 to index
        %swap3A_172 = tpu.vector_load %arg7[%swap3A_171] {strides = array<i32>} : memref<10240xf32, #tpu.memory_space<vmem>>, vector<16xf32>,
        tpu.vector_store %arg7[%swap3A_171], %gather3A_170 {strides = array<i32>} : memref<10240xf32, #tpu.memory_space<vmem>>, vector<16xf32>,
        %mul3A_173 = arith.constant 128 : i32
        %mul3A_174 = arith.muli %add3A_130, %mul3A_173 : i32
        %add3A_175 = arith.constant 64 : i32
        %add3A_176 = arith.addi %mul3A_174, %add3A_175 : i32
        %get3A_177 = arith.constant 0 : i32
        %get3A_178 = arith.index_cast %get3A_177 : i32 to index
        %get3A_179 = arith.index_cast %add3A_176 : i32 to index
        %get3A_180 = tpu.vector_load %arg6[%get3A_178, %get3A_179] {strides = array<i32>} : memref<2x10240xi32, #tpu.memory_space<vmem>>, vector<16xi32>,
        %gather3A_181 = tpu.vector_load_idx %arg8[%get3A_180] : memref<10000xf32, #tpu.memory_space<vmem>>[vector<16xi32>], vector<16xf32>,
        %swap3A_182 = arith.index_cast %add3A_176 : i32 to index
        %swap3A_183 = tpu.vector_load %arg7[%swap3A_182] {strides = array<i32>} : memref<10240xf32, #tpu.memory_space<vmem>>, vector<16xf32>,
        tpu.vector_store %arg7[%swap3A_182], %gather3A_181 {strides = array<i32>} : memref<10240xf32, #tpu.memory_space<vmem>>, vector<16xf32>,
        %mul3A_184 = arith.constant 128 : i32
        %mul3A_185 = arith.muli %add3A_130, %mul3A_184 : i32
        %add3A_186 = arith.constant 80 : i32
        %add3A_187 = arith.addi %mul3A_185, %add3A_186 : i32
        %get3A_188 = arith.constant 0 : i32
        %get3A_189 = arith.index_cast %get3A_188 : i32 to index
        %get3A_190 = arith.index_cast %add3A_187 : i32 to index
        %get3A_191 = tpu.vector_load %arg6[%get3A_189, %get3A_190] {strides = array<i32>} : memref<2x10240xi32, #tpu.memory_space<vmem>>, vector<16xi32>,
        %gather3A_192 = tpu.vector_load_idx %arg8[%get3A_191] : memref<10000xf32, #tpu.memory_space<vmem>>[vector<16xi32>], vector<16xf32>,
        %swap3A_193 = arith.index_cast %add3A_187 : i32 to index
        %swap3A_194 = tpu.vector_load %arg7[%swap3A_193] {strides = array<i32>} : memref<10240xf32, #tpu.memory_space<vmem>>, vector<16xf32>,
        tpu.vector_store %arg7[%swap3A_193], %gather3A_192 {strides = array<i32>} : memref<10240xf32, #tpu.memory_space<vmem>>, vector<16xf32>,
        %mul3A_195 = arith.constant 128 : i32
        %mul3A_196 = arith.muli %add3A_130, %mul3A_195 : i32
        %add3A_197 = arith.constant 96 : i32
        %add3A_198 = arith.addi %mul3A_196, %add3A_197 : i32
        %get3A_199 = arith.constant 0 : i32
        %get3A_200 = arith.index_cast %get3A_199 : i32 to index
        %get3A_201 = arith.index_cast %add3A_198 : i32 to index
        %get3A_202 = tpu.vector_load %arg6[%get3A_200, %get3A_201] {strides = array<i32>} : memref<2x10240xi32, #tpu.memory_space<vmem>>, vector<16xi32>,
        %gather3A_203 = tpu.vector_load_idx %arg8[%get3A_202] : memref<10000xf32, #tpu.memory_space<vmem>>[vector<16xi32>], vector<16xf32>,
        %swap3A_204 = arith.index_cast %add3A_198 : i32 to index
        %swap3A_205 = tpu.vector_load %arg7[%swap3A_204] {strides = array<i32>} : memref<10240xf32, #tpu.memory_space<vmem>>, vector<16xf32>,
        tpu.vector_store %arg7[%swap3A_204], %gather3A_203 {strides = array<i32>} : memref<10240xf32, #tpu.memory_space<vmem>>, vector<16xf32>,
        %mul3A_206 = arith.constant 128 : i32
        %mul3A_207 = arith.muli %add3A_130, %mul3A_206 : i32
        %add3A_208 = arith.constant 112 : i32
        %add3A_209 = arith.addi %mul3A_207, %add3A_208 : i32
        %get3A_210 = arith.constant 0 : i32
        %get3A_211 = arith.index_cast %get3A_210 : i32 to index
        %get3A_212 = arith.index_cast %add3A_209 : i32 to index
        %get3A_213 = tpu.vector_load %arg6[%get3A_211, %get3A_212] {strides = array<i32>} : memref<2x10240xi32, #tpu.memory_space<vmem>>, vector<16xi32>,
        %gather3A_214 = tpu.vector_load_idx %arg8[%get3A_213] : memref<10000xf32, #tpu.memory_space<vmem>>[vector<16xi32>], vector<16xf32>,
        %swap3A_215 = arith.index_cast %add3A_209 : i32 to index
        %swap3A_216 = tpu.vector_load %arg7[%swap3A_215] {strides = array<i32>} : memref<10240xf32, #tpu.memory_space<vmem>>, vector<16xf32>,
        tpu.vector_store %arg7[%swap3A_215], %gather3A_214 {strides = array<i32>} : memref<10240xf32, #tpu.memory_space<vmem>>, vector<16xf32>,
        %mul3A_217 = arith.constant 128 : i32
        %mul3A_218 = arith.muli %add3A_130, %mul3A_217 : i32
        %mul3A_219 = arith.constant 128 : i32
        %mul3A_220 = arith.muli %add3A_130, %mul3A_219 : i32
        %dma_start3A_221 = arith.constant 1 : i32
        %dma_start3A_222 = tpu.memref_slice %arg7[%mul3A_220] : memref<10240xf32, #tpu.memory_space<vmem>> -> memref<128xf32, #tpu.memory_space<vmem>>
        %dma_start3A_223 = tpu.memref_slice %arg6[%dma_start3A_221, %mul3A_218] : memref<2x10240xi32, #tpu.memory_space<vmem>> -> memref<1x128xi32, #tpu.memory_space<vmem>>
        %dma_start3A_224 = tpu.memref_squeeze %dma_start3A_223 : memref<1x128xi32, #tpu.memory_space<vmem>> -> memref<128xi32, #tpu.memory_space<vmem>>
        %dma_start3A_225 = arith.constant 0 : i32
        %dma_start3A_226 = tpu.memref_slice %arg13[%dma_start3A_225] : memref<10240xf32, #tpu.memory_space<vmem_shared>> -> memref<10240xf32, #tpu.memory_space<vmem_shared>>
        tpu.enqueue_indirect_dma source(%dma_start3A_222 : memref<128xf32, #tpu.memory_space<vmem>>) target(%dma_start3A_226 : memref<10240xf32, #tpu.memory_space<vmem_shared>>) offsets(%dma_start3A_224 : memref<128xi32, #tpu.memory_space<vmem>>) semaphore(%arg15 : memref<!tpu.dma_semaphore, #tpu.memory_space<semaphore_mem>>) {add = true}
        %dma_start3A_227 = arith.constant 1 : i32
        %dma_start3A_228 = tpu.memref_slice %arg6[%dma_start3A_227, %mul3A_218] : memref<2x10240xi32, #tpu.memory_space<vmem>> -> memref<1x128xi32, #tpu.memory_space<vmem>>
        %dma_start3A_229 = tpu.memref_squeeze %dma_start3A_228 : memref<1x128xi32, #tpu.memory_space<vmem>> -> memref<128xi32, #tpu.memory_space<vmem>>
        %dma_start3A_230 = arith.constant 0 : i32
        %dma_start3A_231 = tpu.memref_slice %arg14[%dma_start3A_230] : memref<10240xf32, #tpu.memory_space<vmem_shared>> -> memref<10240xf32, #tpu.memory_space<vmem_shared>>
        tpu.enqueue_indirect_dma source(%arg10 : memref<128xf32, #tpu.memory_space<vmem>>) target(%dma_start3A_231 : memref<10240xf32, #tpu.memory_space<vmem_shared>>) offsets(%dma_start3A_229 : memref<128xi32, #tpu.memory_space<vmem>>) semaphore(%arg15 : memref<!tpu.dma_semaphore, #tpu.memory_space<semaphore_mem>>) {add = true}
      }
      %scan3A_125 = arith.constant 64 : i32
    } else {
    }
    %ge3A_90 = arith.constant 28 : i32
    %ge3A_91 = arith.cmpi sge, %add3A, %ge3A_90 : i32
    %convert_element_type3A_92 = arith.extui %ge3A_91 : i1 to i32
    %cond3A_93 = arith.constant 0 : i32
    %cond3A_94 = arith.cmpi ne, %convert_element_type3A_92, %cond3A_93 : i32
    scf.if %cond3A_94 {
      %get3A = arith.constant 0 : i32
      %get3A_121 = arith.index_cast %get3A : i32 to index
      %get3A_122 = arith.constant 0 : index
      %get3A_123 = tpu.vector_load %arg11[%get3A_121, %get3A_122] {strides = array<i32>} : memref<2x128xi32, #tpu.memory_space<vmem>>, vector<16xi32>,
      %gather3A = tpu.vector_load_idx %arg8[%get3A_123] : memref<10000xf32, #tpu.memory_space<vmem>>[vector<16xi32>], vector<16xf32>,
      %swap3A_124 = arith.constant 0 : i32
      %swap3A_125 = arith.index_cast %swap3A_124 : i32 to index
      %swap3A_126 = arith.constant 0 : index
      %swap3A_127 = tpu.vector_load %arg12[%swap3A_125, %swap3A_126] {strides = array<i32>} : memref<8x128xf32, #tpu.memory_space<vmem>>, vector<16xf32>,
      tpu.vector_store %arg12[%swap3A_125, %swap3A_126], %gather3A {strides = array<i32>} : memref<8x128xf32, #tpu.memory_space<vmem>>, vector<16xf32>,
      %get3A_128 = arith.constant 0 : i32
      %get3A_129 = arith.index_cast %get3A_128 : i32 to index
      %get3A_130 = arith.constant 16 : index
      %get3A_131 = tpu.vector_load %arg11[%get3A_129, %get3A_130] {strides = array<i32>} : memref<2x128xi32, #tpu.memory_space<vmem>>, vector<16xi32>,
      %gather3A_132 = tpu.vector_load_idx %arg8[%get3A_131] : memref<10000xf32, #tpu.memory_space<vmem>>[vector<16xi32>], vector<16xf32>,
      %swap3A_133 = arith.constant 0 : i32
      %swap3A_134 = arith.index_cast %swap3A_133 : i32 to index
      %swap3A_135 = arith.constant 16 : index
      %swap3A_136 = tpu.vector_load %arg12[%swap3A_134, %swap3A_135] {strides = array<i32>} : memref<8x128xf32, #tpu.memory_space<vmem>>, vector<16xf32>,
      tpu.vector_store %arg12[%swap3A_134, %swap3A_135], %gather3A_132 {strides = array<i32>} : memref<8x128xf32, #tpu.memory_space<vmem>>, vector<16xf32>,
      %get3A_137 = arith.constant 0 : i32
      %get3A_138 = arith.index_cast %get3A_137 : i32 to index
      %get3A_139 = arith.constant 32 : index
      %get3A_140 = tpu.vector_load %arg11[%get3A_138, %get3A_139] {strides = array<i32>} : memref<2x128xi32, #tpu.memory_space<vmem>>, vector<16xi32>,
      %gather3A_141 = tpu.vector_load_idx %arg8[%get3A_140] : memref<10000xf32, #tpu.memory_space<vmem>>[vector<16xi32>], vector<16xf32>,
      %swap3A_142 = arith.constant 0 : i32
      %swap3A_143 = arith.index_cast %swap3A_142 : i32 to index
      %swap3A_144 = arith.constant 32 : index
      %swap3A_145 = tpu.vector_load %arg12[%swap3A_143, %swap3A_144] {strides = array<i32>} : memref<8x128xf32, #tpu.memory_space<vmem>>, vector<16xf32>,
      tpu.vector_store %arg12[%swap3A_143, %swap3A_144], %gather3A_141 {strides = array<i32>} : memref<8x128xf32, #tpu.memory_space<vmem>>, vector<16xf32>,
      %get3A_146 = arith.constant 0 : i32
      %get3A_147 = arith.index_cast %get3A_146 : i32 to index
      %get3A_148 = arith.constant 48 : index
      %get3A_149 = tpu.vector_load %arg11[%get3A_147, %get3A_148] {strides = array<i32>} : memref<2x128xi32, #tpu.memory_space<vmem>>, vector<16xi32>,
      %gather3A_150 = tpu.vector_load_idx %arg8[%get3A_149] : memref<10000xf32, #tpu.memory_space<vmem>>[vector<16xi32>], vector<16xf32>,
      %swap3A_151 = arith.constant 0 : i32
      %swap3A_152 = arith.index_cast %swap3A_151 : i32 to index
      %swap3A_153 = arith.constant 48 : index
      %swap3A_154 = tpu.vector_load %arg12[%swap3A_152, %swap3A_153] {strides = array<i32>} : memref<8x128xf32, #tpu.memory_space<vmem>>, vector<16xf32>,
      tpu.vector_store %arg12[%swap3A_152, %swap3A_153], %gather3A_150 {strides = array<i32>} : memref<8x128xf32, #tpu.memory_space<vmem>>, vector<16xf32>,
      %get3A_155 = arith.constant 0 : i32
      %get3A_156 = arith.index_cast %get3A_155 : i32 to index
      %get3A_157 = arith.constant 64 : index
      %get3A_158 = tpu.vector_load %arg11[%get3A_156, %get3A_157] {strides = array<i32>} : memref<2x128xi32, #tpu.memory_space<vmem>>, vector<16xi32>,
      %gather3A_159 = tpu.vector_load_idx %arg8[%get3A_158] : memref<10000xf32, #tpu.memory_space<vmem>>[vector<16xi32>], vector<16xf32>,
      %swap3A_160 = arith.constant 0 : i32
      %swap3A_161 = arith.index_cast %swap3A_160 : i32 to index
      %swap3A_162 = arith.constant 64 : index
      %swap3A_163 = tpu.vector_load %arg12[%swap3A_161, %swap3A_162] {strides = array<i32>} : memref<8x128xf32, #tpu.memory_space<vmem>>, vector<16xf32>,
      tpu.vector_store %arg12[%swap3A_161, %swap3A_162], %gather3A_159 {strides = array<i32>} : memref<8x128xf32, #tpu.memory_space<vmem>>, vector<16xf32>,
      %get3A_164 = arith.constant 0 : i32
      %get3A_165 = arith.index_cast %get3A_164 : i32 to index
      %get3A_166 = arith.constant 80 : index
      %get3A_167 = tpu.vector_load %arg11[%get3A_165, %get3A_166] {strides = array<i32>} : memref<2x128xi32, #tpu.memory_space<vmem>>, vector<16xi32>,
      %gather3A_168 = tpu.vector_load_idx %arg8[%get3A_167] : memref<10000xf32, #tpu.memory_space<vmem>>[vector<16xi32>], vector<16xf32>,
      %swap3A_169 = arith.constant 0 : i32
      %swap3A_170 = arith.index_cast %swap3A_169 : i32 to index
      %swap3A_171 = arith.constant 80 : index
      %swap3A_172 = tpu.vector_load %arg12[%swap3A_170, %swap3A_171] {strides = array<i32>} : memref<8x128xf32, #tpu.memory_space<vmem>>, vector<16xf32>,
      tpu.vector_store %arg12[%swap3A_170, %swap3A_171], %gather3A_168 {strides = array<i32>} : memref<8x128xf32, #tpu.memory_space<vmem>>, vector<16xf32>,
      %get3A_173 = arith.constant 0 : i32
      %get3A_174 = arith.index_cast %get3A_173 : i32 to index
      %get3A_175 = arith.constant 96 : index
      %get3A_176 = tpu.vector_load %arg11[%get3A_174, %get3A_175] {strides = array<i32>} : memref<2x128xi32, #tpu.memory_space<vmem>>, vector<16xi32>,
      %gather3A_177 = tpu.vector_load_idx %arg8[%get3A_176] : memref<10000xf32, #tpu.memory_space<vmem>>[vector<16xi32>], vector<16xf32>,
      %swap3A_178 = arith.constant 0 : i32
      %swap3A_179 = arith.index_cast %swap3A_178 : i32 to index
      %swap3A_180 = arith.constant 96 : index
      %swap3A_181 = tpu.vector_load %arg12[%swap3A_179, %swap3A_180] {strides = array<i32>} : memref<8x128xf32, #tpu.memory_space<vmem>>, vector<16xf32>,
      tpu.vector_store %arg12[%swap3A_179, %swap3A_180], %gather3A_177 {strides = array<i32>} : memref<8x128xf32, #tpu.memory_space<vmem>>, vector<16xf32>,
      %get3A_182 = arith.constant 0 : i32
      %get3A_183 = arith.index_cast %get3A_182 : i32 to index
      %get3A_184 = arith.constant 112 : index
      %get3A_185 = tpu.vector_load %arg11[%get3A_183, %get3A_184] {strides = array<i32>} : memref<2x128xi32, #tpu.memory_space<vmem>>, vector<16xi32>,
      %gather3A_186 = tpu.vector_load_idx %arg8[%get3A_185] : memref<10000xf32, #tpu.memory_space<vmem>>[vector<16xi32>], vector<16xf32>,
      %swap3A_187 = arith.constant 0 : i32
      %swap3A_188 = arith.index_cast %swap3A_187 : i32 to index
      %swap3A_189 = arith.constant 112 : index
      %swap3A_190 = tpu.vector_load %arg12[%swap3A_188, %swap3A_189] {strides = array<i32>} : memref<8x128xf32, #tpu.memory_space<vmem>>, vector<16xf32>,
      tpu.vector_store %arg12[%swap3A_188, %swap3A_189], %gather3A_186 {strides = array<i32>} : memref<8x128xf32, #tpu.memory_space<vmem>>, vector<16xf32>,
      %dma_start3A_191 = arith.constant 0 : i32
      %dma_start3A_192 = arith.constant 1 : i32
      %dma_start3A_193 = arith.constant 0 : i32
      %dma_start3A_194 = tpu.memref_slice %arg12[%dma_start3A_191, %dma_start3A_193] : memref<8x128xf32, #tpu.memory_space<vmem>> -> memref<1x128xf32, #tpu.memory_space<vmem>>
      %dma_start3A_195 = tpu.memref_squeeze %dma_start3A_194 : memref<1x128xf32, #tpu.memory_space<vmem>> -> memref<128xf32, #tpu.memory_space<vmem>>
      %dma_start3A_196 = arith.constant 0 : i32
      %dma_start3A_197 = tpu.memref_slice %arg11[%dma_start3A_192, %dma_start3A_196] : memref<2x128xi32, #tpu.memory_space<vmem>> -> memref<1x128xi32, #tpu.memory_space<vmem>>
      %dma_start3A_198 = tpu.memref_squeeze %dma_start3A_197 : memref<1x128xi32, #tpu.memory_space<vmem>> -> memref<128xi32, #tpu.memory_space<vmem>>
      %dma_start3A_199 = arith.constant 0 : i32
      %dma_start3A_200 = tpu.memref_slice %arg13[%dma_start3A_199] : memref<10240xf32, #tpu.memory_space<vmem_shared>> -> memref<10240xf32, #tpu.memory_space<vmem_shared>>
      tpu.enqueue_indirect_dma source(%dma_start3A_195 : memref<128xf32, #tpu.memory_space<vmem>>) target(%dma_start3A_200 : memref<10240xf32, #tpu.memory_space<vmem_shared>>) offsets(%dma_start3A_198 : memref<128xi32, #tpu.memory_space<vmem>>) semaphore(%arg15 : memref<!tpu.dma_semaphore, #tpu.memory_space<semaphore_mem>>) {add = true}
      %dma_start3A_201 = arith.constant 1 : i32
      %dma_start3A_202 = arith.constant 0 : i32
      %dma_start3A_203 = tpu.memref_slice %arg11[%dma_start3A_201, %dma_start3A_202] : memref<2x128xi32, #tpu.memory_space<vmem>> -> memref<1x128xi32, #tpu.memory_space<vmem>>
      %dma_start3A_204 = tpu.memref_squeeze %dma_start3A_203 : memref<1x128xi32, #tpu.memory_space<vmem>> -> memref<128xi32, #tpu.memory_space<vmem>>
      %dma_start3A_205 = arith.constant 0 : i32
      %dma_start3A_206 = tpu.memref_slice %arg14[%dma_start3A_205] : memref<10240xf32, #tpu.memory_space<vmem_shared>> -> memref<10240xf32, #tpu.memory_space<vmem_shared>>
      tpu.enqueue_indirect_dma source(%arg10 : memref<128xf32, #tpu.memory_space<vmem>>) target(%dma_start3A_206 : memref<10240xf32, #tpu.memory_space<vmem_shared>>) offsets(%dma_start3A_204 : memref<128xi32, #tpu.memory_space<vmem>>) semaphore(%arg15 : memref<!tpu.dma_semaphore, #tpu.memory_space<semaphore_mem>>) {add = true}
    } else {
    }
    %lt3A_95 = arith.constant 31 : i32
    %lt3A_96 = arith.cmpi slt, %add3A, %lt3A_95 : i32
    %convert_element_type3A_97 = arith.extui %lt3A_96 : i1 to i32
    %cond3A_98 = arith.constant 0 : i32
    %cond3A_99 = arith.cmpi ne, %convert_element_type3A_97, %cond3A_98 : i32
    scf.if %cond3A_99 {
      %dma_wait3A_121 = arith.constant 0 : i32
      %dma_wait3A_122 = arith.constant 0 : i32
      %dma_wait3A_123 = tpu.memref_slice %arg4[%dma_wait3A_121, %dma_wait3A_122] : memref<1x20480xf32, #tpu.memory_space<hbm>> -> memref<1x10240xf32, #tpu.memory_space<hbm>>
      %dma_wait3A_124 = tpu.memref_squeeze %dma_wait3A_123 : memref<1x10240xf32, #tpu.memory_space<hbm>> -> memref<10240xf32, #tpu.memory_space<hbm>>
      %dma_wait3A_125 = arith.constant 0 : i32
      %dma_wait3A_126 = tpu.memref_slice %arg4[%dma_wait3A_121, %dma_wait3A_125] : memref<1x20480xf32, #tpu.memory_space<hbm>> -> memref<1x10240xf32, #tpu.memory_space<hbm>>
      %dma_wait3A_127 = tpu.memref_squeeze %dma_wait3A_126 : memref<1x10240xf32, #tpu.memory_space<hbm>> -> memref<10240xf32, #tpu.memory_space<hbm>>
      tpu.wait_dma2 semaphore(%arg15 : memref<!tpu.dma_semaphore, #tpu.memory_space<semaphore_mem>>) src(%dma_wait3A_127 : memref<10240xf32, #tpu.memory_space<hbm>>) dst(%arg7 : memref<10240xf32, #tpu.memory_space<vmem>>)
      %dma_wait3A_128 = arith.constant 0 : i32
      %dma_wait3A_129 = arith.constant 0 : i32
      %dma_wait3A_130 = tpu.memref_slice %arg4[%dma_wait3A_128, %dma_wait3A_129] : memref<1x20480xf32, #tpu.memory_space<hbm>> -> memref<1x10240xf32, #tpu.memory_space<hbm>>
      %dma_wait3A_131 = tpu.memref_squeeze %dma_wait3A_130 : memref<1x10240xf32, #tpu.memory_space<hbm>> -> memref<10240xf32, #tpu.memory_space<hbm>>
      %dma_wait3A_132 = arith.constant 0 : i32
      %dma_wait3A_133 = tpu.memref_slice %arg4[%dma_wait3A_128, %dma_wait3A_132] : memref<1x20480xf32, #tpu.memory_space<hbm>> -> memref<1x10240xf32, #tpu.memory_space<hbm>>
      %dma_wait3A_134 = tpu.memref_squeeze %dma_wait3A_133 : memref<1x10240xf32, #tpu.memory_space<hbm>> -> memref<10240xf32, #tpu.memory_space<hbm>>
      tpu.wait_dma2 semaphore(%arg15 : memref<!tpu.dma_semaphore, #tpu.memory_space<semaphore_mem>>) src(%dma_wait3A_134 : memref<10240xf32, #tpu.memory_space<hbm>>) dst(%arg7 : memref<10240xf32, #tpu.memory_space<vmem>>)
    } else {
    }
    %eq3A_100 = arith.constant 31 : i32
    %eq3A_101 = arith.cmpi eq, %add3A, %eq3A_100 : i32
    %convert_element_type3A_102 = arith.extui %eq3A_101 : i1 to i32
    %cond3A_103 = arith.constant 0 : i32
    %cond3A_104 = arith.cmpi ne, %convert_element_type3A_102, %cond3A_103 : i32
    scf.if %cond3A_104 {
      %dma_wait3A_121 = arith.constant 0 : i32
      %dma_wait3A_122 = arith.constant 0 : i32
      %dma_wait3A_123 = tpu.memref_slice %arg7[%dma_wait3A_122] : memref<10240xf32, #tpu.memory_space<vmem>> -> memref<2048xf32, #tpu.memory_space<vmem>>
      %dma_wait3A_124 = arith.constant 0 : i32
      %dma_wait3A_125 = tpu.memref_slice %arg4[%dma_wait3A_121, %dma_wait3A_124] : memref<1x20480xf32, #tpu.memory_space<hbm>> -> memref<1x2048xf32, #tpu.memory_space<hbm>>
      %dma_wait3A_126 = tpu.memref_squeeze %dma_wait3A_125 : memref<1x2048xf32, #tpu.memory_space<hbm>> -> memref<2048xf32, #tpu.memory_space<hbm>>
      %dma_wait3A_127 = arith.constant 0 : i32
      %dma_wait3A_128 = tpu.memref_slice %arg7[%dma_wait3A_127] : memref<10240xf32, #tpu.memory_space<vmem>> -> memref<2048xf32, #tpu.memory_space<vmem>>
      %dma_wait3A_129 = arith.constant 0 : i32
      %dma_wait3A_130 = tpu.memref_slice %arg4[%dma_wait3A_121, %dma_wait3A_129] : memref<1x20480xf32, #tpu.memory_space<hbm>> -> memref<1x2048xf32, #tpu.memory_space<hbm>>
      %dma_wait3A_131 = tpu.memref_squeeze %dma_wait3A_130 : memref<1x2048xf32, #tpu.memory_space<hbm>> -> memref<2048xf32, #tpu.memory_space<hbm>>
      tpu.wait_dma2 semaphore(%arg15 : memref<!tpu.dma_semaphore, #tpu.memory_space<semaphore_mem>>) src(%dma_wait3A_131 : memref<2048xf32, #tpu.memory_space<hbm>>) dst(%dma_wait3A_128 : memref<2048xf32, #tpu.memory_space<vmem>>)
      %dma_wait3A_132 = arith.constant 0 : i32
      %dma_wait3A_133 = arith.constant 0 : i32
      %dma_wait3A_134 = tpu.memref_slice %arg7[%dma_wait3A_133] : memref<10240xf32, #tpu.memory_space<vmem>> -> memref<2048xf32, #tpu.memory_space<vmem>>
      %dma_wait3A_135 = arith.constant 0 : i32
      %dma_wait3A_136 = tpu.memref_slice %arg4[%dma_wait3A_132, %dma_wait3A_135] : memref<1x20480xf32, #tpu.memory_space<hbm>> -> memref<1x2048xf32, #tpu.memory_space<hbm>>
      %dma_wait3A_137 = tpu.memref_squeeze %dma_wait3A_136 : memref<1x2048xf32, #tpu.memory_space<hbm>> -> memref<2048xf32, #tpu.memory_space<hbm>>
      %dma_wait3A_138 = arith.constant 0 : i32
      %dma_wait3A_139 = tpu.memref_slice %arg7[%dma_wait3A_138] : memref<10240xf32, #tpu.memory_space<vmem>> -> memref<2048xf32, #tpu.memory_space<vmem>>
      %dma_wait3A_140 = arith.constant 0 : i32
      %dma_wait3A_141 = tpu.memref_slice %arg4[%dma_wait3A_132, %dma_wait3A_140] : memref<1x20480xf32, #tpu.memory_space<hbm>> -> memref<1x2048xf32, #tpu.memory_space<hbm>>
      %dma_wait3A_142 = tpu.memref_squeeze %dma_wait3A_141 : memref<1x2048xf32, #tpu.memory_space<hbm>> -> memref<2048xf32, #tpu.memory_space<hbm>>
      tpu.wait_dma2 semaphore(%arg15 : memref<!tpu.dma_semaphore, #tpu.memory_space<semaphore_mem>>) src(%dma_wait3A_142 : memref<2048xf32, #tpu.memory_space<hbm>>) dst(%dma_wait3A_139 : memref<2048xf32, #tpu.memory_space<vmem>>)
    } else {
    }
    %ge3A_105 = arith.constant 28 : i32
    %ge3A_106 = arith.cmpi sge, %add3A, %ge3A_105 : i32
    %convert_element_type3A_107 = arith.extui %ge3A_106 : i1 to i32
    %cond3A_108 = arith.constant 0 : i32
    %cond3A_109 = arith.cmpi ne, %convert_element_type3A_107, %cond3A_108 : i32
    scf.if %cond3A_109 {
      %dma_wait3A_121 = arith.constant 0 : i32
      %dma_wait3A_122 = arith.constant 0 : i32
      %dma_wait3A_123 = arith.constant 0 : i32
      %dma_wait3A_124 = tpu.memref_slice %arg12[%dma_wait3A_122, %dma_wait3A_123] : memref<8x128xf32, #tpu.memory_space<vmem>> -> memref<1x128xf32, #tpu.memory_space<vmem>>
      %dma_wait3A_125 = tpu.memref_squeeze %dma_wait3A_124 : memref<1x128xf32, #tpu.memory_space<vmem>> -> memref<128xf32, #tpu.memory_space<vmem>>
      %dma_wait3A_126 = arith.constant 0 : i32
      %dma_wait3A_127 = tpu.memref_slice %arg4[%dma_wait3A_121, %dma_wait3A_126] : memref<1x20480xf32, #tpu.memory_space<hbm>> -> memref<1x128xf32, #tpu.memory_space<hbm>>
      %dma_wait3A_128 = tpu.memref_squeeze %dma_wait3A_127 : memref<1x128xf32, #tpu.memory_space<hbm>> -> memref<128xf32, #tpu.memory_space<hbm>>
      %dma_wait3A_129 = arith.constant 0 : i32
      %dma_wait3A_130 = tpu.memref_slice %arg12[%dma_wait3A_122, %dma_wait3A_129] : memref<8x128xf32, #tpu.memory_space<vmem>> -> memref<1x128xf32, #tpu.memory_space<vmem>>
      %dma_wait3A_131 = tpu.memref_squeeze %dma_wait3A_130 : memref<1x128xf32, #tpu.memory_space<vmem>> -> memref<128xf32, #tpu.memory_space<vmem>>
      %dma_wait3A_132 = arith.constant 0 : i32
      %dma_wait3A_133 = tpu.memref_slice %arg4[%dma_wait3A_121, %dma_wait3A_132] : memref<1x20480xf32, #tpu.memory_space<hbm>> -> memref<1x128xf32, #tpu.memory_space<hbm>>
      %dma_wait3A_134 = tpu.memref_squeeze %dma_wait3A_133 : memref<1x128xf32, #tpu.memory_space<hbm>> -> memref<128xf32, #tpu.memory_space<hbm>>
      tpu.wait_dma2 semaphore(%arg15 : memref<!tpu.dma_semaphore, #tpu.memory_space<semaphore_mem>>) src(%dma_wait3A_134 : memref<128xf32, #tpu.memory_space<hbm>>) dst(%dma_wait3A_131 : memref<128xf32, #tpu.memory_space<vmem>>)
      %dma_wait3A_135 = arith.constant 0 : i32
      %dma_wait3A_136 = arith.constant 0 : i32
      %dma_wait3A_137 = arith.constant 0 : i32
      %dma_wait3A_138 = tpu.memref_slice %arg12[%dma_wait3A_136, %dma_wait3A_137] : memref<8x128xf32, #tpu.memory_space<vmem>> -> memref<1x128xf32, #tpu.memory_space<vmem>>
      %dma_wait3A_139 = tpu.memref_squeeze %dma_wait3A_138 : memref<1x128xf32, #tpu.memory_space<vmem>> -> memref<128xf32, #tpu.memory_space<vmem>>
      %dma_wait3A_140 = arith.constant 0 : i32
      %dma_wait3A_141 = tpu.memref_slice %arg4[%dma_wait3A_135, %dma_wait3A_140] : memref<1x20480xf32, #tpu.memory_space<hbm>> -> memref<1x128xf32, #tpu.memory_space<hbm>>
      %dma_wait3A_142 = tpu.memref_squeeze %dma_wait3A_141 : memref<1x128xf32, #tpu.memory_space<hbm>> -> memref<128xf32, #tpu.memory_space<hbm>>
      %dma_wait3A_143 = arith.constant 0 : i32
      %dma_wait3A_144 = tpu.memref_slice %arg12[%dma_wait3A_136, %dma_wait3A_143] : memref<8x128xf32, #tpu.memory_space<vmem>> -> memref<1x128xf32, #tpu.memory_space<vmem>>
      %dma_wait3A_145 = tpu.memref_squeeze %dma_wait3A_144 : memref<1x128xf32, #tpu.memory_space<vmem>> -> memref<128xf32, #tpu.memory_space<vmem>>
      %dma_wait3A_146 = arith.constant 0 : i32
      %dma_wait3A_147 = tpu.memref_slice %arg4[%dma_wait3A_135, %dma_wait3A_146] : memref<1x20480xf32, #tpu.memory_space<hbm>> -> memref<1x128xf32, #tpu.memory_space<hbm>>
      %dma_wait3A_148 = tpu.memref_squeeze %dma_wait3A_147 : memref<1x128xf32, #tpu.memory_space<hbm>> -> memref<128xf32, #tpu.memory_space<hbm>>
      tpu.wait_dma2 semaphore(%arg15 : memref<!tpu.dma_semaphore, #tpu.memory_space<semaphore_mem>>) src(%dma_wait3A_148 : memref<128xf32, #tpu.memory_space<hbm>>) dst(%dma_wait3A_145 : memref<128xf32, #tpu.memory_space<vmem>>)
    } else {
    }
    %barrier3A_110 = arith.constant 0 : index
    tpu.barrier barrier_id(%barrier3A_110)
    %mul3A_111 = arith.constant 10240 : i32
    %mul3A_112 = arith.muli %arg0, %mul3A_111 : i32
    %mul3A_113 = arith.constant 640 : i32
    %mul3A_114 = arith.muli %arg1, %mul3A_113 : i32
    %add3A_115 = arith.addi %mul3A_112, %mul3A_114 : i32
    %mul3A_116 = arith.constant 640 : i32
    %mul3A_117 = arith.muli %arg1, %mul3A_116 : i32
    %run_scoped3A = arith.constant 0 : i32
    "tpu.region"() ({
      %run_scoped3A_121 = tpu.sem_alloc : memref<!tpu.dma_semaphore, #tpu.memory_space<semaphore_mem>>
      %dma_start3A_122 = tpu.memref_slice %arg4[%run_scoped3A, %add3A_115] : memref<1x20480xf32, #tpu.memory_space<hbm>> -> memref<1x640xf32, #tpu.memory_space<hbm>>
      %dma_start3A_123 = tpu.memref_squeeze %dma_start3A_122 : memref<1x640xf32, #tpu.memory_space<hbm>> -> memref<640xf32, #tpu.memory_space<hbm>>
      %dma_start3A_124 = tpu.memref_slice %arg13[%mul3A_117] : memref<10240xf32, #tpu.memory_space<vmem_shared>> -> memref<640xf32, #tpu.memory_space<vmem_shared>>
      tpu.enqueue_dma source(%dma_start3A_124 : memref<640xf32, #tpu.memory_space<vmem_shared>>) target(%dma_start3A_123 : memref<640xf32, #tpu.memory_space<hbm>>) target_semaphore(%run_scoped3A_121 : memref<!tpu.dma_semaphore, #tpu.memory_space<semaphore_mem>>)
      %dma_wait3A_125 = tpu.memref_slice %arg4[%run_scoped3A, %add3A_115] : memref<1x20480xf32, #tpu.memory_space<hbm>> -> memref<1x640xf32, #tpu.memory_space<hbm>>
      %dma_wait3A_126 = tpu.memref_squeeze %dma_wait3A_125 : memref<1x640xf32, #tpu.memory_space<hbm>> -> memref<640xf32, #tpu.memory_space<hbm>>
      %dma_wait3A_127 = tpu.memref_slice %arg13[%mul3A_117] : memref<10240xf32, #tpu.memory_space<vmem_shared>> -> memref<640xf32, #tpu.memory_space<vmem_shared>>
      tpu.wait_dma2 semaphore(%run_scoped3A_121 : memref<!tpu.dma_semaphore, #tpu.memory_space<semaphore_mem>>) src(%dma_wait3A_127 : memref<640xf32, #tpu.memory_space<vmem_shared>>) dst(%dma_wait3A_126 : memref<640xf32, #tpu.memory_space<hbm>>)
      tpu.yield
    }) : () -> ()
    %mul3A_118 = arith.constant 640 : i32
    %mul3A_119 = arith.muli %arg1, %mul3A_118 : i32
    %run_scoped3A_120 = arith.constant 0 : i32
    "tpu.region"() ({
      %run_scoped3A_121 = tpu.sem_alloc : memref<!tpu.dma_semaphore, #tpu.memory_space<semaphore_mem>>
      %dma_start3A_122 = tpu.memref_slice %arg5[%run_scoped3A_120, %add3A_115] : memref<1x20480xf32, #tpu.memory_space<hbm>> -> memref<1x640xf32, #tpu.memory_space<hbm>>
      %dma_start3A_123 = tpu.memref_squeeze %dma_start3A_122 : memref<1x640xf32, #tpu.memory_space<hbm>> -> memref<640xf32, #tpu.memory_space<hbm>>
      %dma_start3A_124 = tpu.memref_slice %arg14[%mul3A_119] : memref<10240xf32, #tpu.memory_space<vmem_shared>> -> memref<640xf32, #tpu.memory_space<vmem_shared>>
      tpu.enqueue_dma source(%dma_start3A_124 : memref<640xf32, #tpu.memory_space<vmem_shared>>) target(%dma_start3A_123 : memref<640xf32, #tpu.memory_space<hbm>>) target_semaphore(%run_scoped3A_121 : memref<!tpu.dma_semaphore, #tpu.memory_space<semaphore_mem>>)
      %dma_wait3A_125 = tpu.memref_slice %arg5[%run_scoped3A_120, %add3A_115] : memref<1x20480xf32, #tpu.memory_space<hbm>> -> memref<1x640xf32, #tpu.memory_space<hbm>>
      %dma_wait3A_126 = tpu.memref_squeeze %dma_wait3A_125 : memref<1x640xf32, #tpu.memory_space<hbm>> -> memref<640xf32, #tpu.memory_space<hbm>>
      %dma_wait3A_127 = tpu.memref_slice %arg14[%mul3A_119] : memref<10240xf32, #tpu.memory_space<vmem_shared>> -> memref<640xf32, #tpu.memory_space<vmem_shared>>
      tpu.wait_dma2 semaphore(%run_scoped3A_121 : memref<!tpu.dma_semaphore, #tpu.memory_space<semaphore_mem>>) src(%dma_wait3A_127 : memref<640xf32, #tpu.memory_space<vmem_shared>>) dst(%dma_wait3A_126 : memref<640xf32, #tpu.memory_space<hbm>>)
      tpu.yield
    }) : () -> ()
    return
  }
}

module attributes {stable_mosaic.version = 14 : i64} {
  func.func @_final_body(%arg0: memref<1x10000xf32, #tpu.memory_space<vmem>>, %arg1: memref<1x20480xf32, #tpu.memory_space<vmem>>, %arg2: memref<1x20480xf32, #tpu.memory_space<vmem>>, %arg3: memref<1x10000xf32, #tpu.memory_space<vmem>>) attributes {dimension_semantics = [], scalar_prefetch = 0 : i64, scratch_operands = 0 : i64, tpu.core_type = #tpu.core_type<tc>} {
    %get3A = arith.constant 0 : index
    %get3A_0 = arith.constant 0 : index
    %get3A_1 = vector.load %arg0[%get3A, %get3A_0] : memref<1x10000xf32, #tpu.memory_space<vmem>>, vector<1x10000xf32>
    %get3A_2 = vector.shape_cast %get3A_1 : vector<1x10000xf32> to vector<10000xf32>
    %get3A_3 = arith.constant 0 : index
    %get3A_4 = arith.constant 0 : index
    %get3A_5 = vector.load %arg1[%get3A_3, %get3A_4] : memref<1x20480xf32, #tpu.memory_space<vmem>>, vector<1x20480xf32>
    %get3A_6 = vector.shape_cast %get3A_5 : vector<1x20480xf32> to vector<20480xf32>
    %get3A_7 = arith.constant 0 : index
    %get3A_8 = arith.constant 0 : index
    %get3A_9 = vector.load %arg2[%get3A_7, %get3A_8] : memref<1x20480xf32, #tpu.memory_space<vmem>>, vector<1x20480xf32>
    %get3A_10 = vector.shape_cast %get3A_9 : vector<1x20480xf32> to vector<20480xf32>
    %slice3A = vector.extract_strided_slice %get3A_6 {offsets = [0], sizes = [10000], strides = [1]} : vector<20480xf32> to vector<10000xf32>
    %slice3A_11 = vector.extract_strided_slice %get3A_6 {offsets = [10240], sizes = [10000], strides = [1]} : vector<20480xf32> to vector<10000xf32>
    %add3A = arith.addf %slice3A, %slice3A_11 : vector<10000xf32>
    %slice3A_12 = vector.extract_strided_slice %get3A_10 {offsets = [0], sizes = [10000], strides = [1]} : vector<20480xf32> to vector<10000xf32>
    %slice3A_13 = vector.extract_strided_slice %get3A_10 {offsets = [10240], sizes = [10000], strides = [1]} : vector<20480xf32> to vector<10000xf32>
    %add3A_14 = arith.addf %slice3A_12, %slice3A_13 : vector<10000xf32>
    %add3A_15 = arith.addf %add3A, %get3A_2 : vector<10000xf32>
    %max3A = arith.constant 0.000000e+00 : f32
    %max3A_16 = vector.broadcast %max3A : f32 to vector<10000xf32>
    %max3A_17 = arith.maximumf %add3A_15, %max3A_16 : vector<10000xf32>
    %add3A_18 = arith.constant 1.000000e+00 : f32
    %add3A_19 = vector.broadcast %add3A_18 : f32 to vector<10000xf32>
    %add3A_20 = arith.addf %max3A_17, %add3A_19 : vector<10000xf32>
    %max3A_21 = arith.constant 0.000000e+00 : f32
    %max3A_22 = vector.broadcast %max3A_21 : f32 to vector<10000xf32>
    %max3A_23 = arith.maximumf %get3A_2, %max3A_22 : vector<10000xf32>
    %add3A_24 = arith.constant 1.000000e+00 : f32
    %add3A_25 = vector.broadcast %add3A_24 : f32 to vector<10000xf32>
    %add3A_26 = arith.addf %max3A_23, %add3A_25 : vector<10000xf32>
    %max3A_27 = arith.constant 1.000000e+00 : f32
    %max3A_28 = vector.broadcast %max3A_27 : f32 to vector<10000xf32>
    %max3A_29 = arith.maximumf %add3A_14, %max3A_28 : vector<10000xf32>
    %sqrt3A = math.sqrt %max3A_29 : vector<10000xf32>
    %mul3A = arith.mulf %sqrt3A, %add3A_20 : vector<10000xf32>
    %mul3A_30 = arith.mulf %mul3A, %add3A_26 : vector<10000xf32>
    %reduce_sum3A = vector.shape_cast %mul3A_30 : vector<10000xf32> to vector<1x10000xf32>
    %reduce_sum3A_31 = arith.constant dense<0.000000e+00> : vector<1xf32>
    %reduce_sum3A_32 = vector.multi_reduction <add>, %reduce_sum3A, %reduce_sum3A_31 [1] : vector<1x10000xf32> to vector<1xf32>
    %reduce_sum3A_33 = vector.shape_cast %reduce_sum3A_32 : vector<1xf32> to vector<1x1xf32>
    %reduce_sum3A_34 = vector.extract %reduce_sum3A_33[0, 0] : f32 from vector<1x1xf32>
    %div3A = arith.constant 2.500000e+03 : f32
    %div3A_35 = arith.divf %div3A, %reduce_sum3A_34 : f32
    %mul3A_36 = vector.broadcast %div3A_35 : f32 to vector<10000xf32>
    %mul3A_37 = arith.mulf %mul3A_30, %mul3A_36 : vector<10000xf32>
    %swap3A = arith.constant 0 : index
    %swap3A_38 = arith.constant 0 : index
    %swap3A_39 = vector.load %arg3[%swap3A, %swap3A_38] : memref<1x10000xf32, #tpu.memory_space<vmem>>, vector<1x10000xf32>
    %swap3A_40 = vector.shape_cast %swap3A_39 : vector<1x10000xf32> to vector<10000xf32>
    %swap3A_41 = vector.shape_cast %mul3A_37 : vector<10000xf32> to vector<1x10000xf32>
    tpu.vector_store %arg3[%swap3A, %swap3A_38], %swap3A_41 {strides = array<i32>} : memref<1x10000xf32, #tpu.memory_space<vmem>>, vector<1x10000xf32>,
    return
  }
}

module attributes {stable_mosaic.version = 14 : i64} {
  func.func @_matvec_body(%arg0: memref<10000x128xf32, #tpu.memory_space<vmem>>, %arg1: memref<1x128xf32, #tpu.memory_space<vmem>>, %arg2: memref<1xf32, #tpu.memory_space<vmem>>, %arg3: memref<1x10000xf32, #tpu.memory_space<vmem>>) attributes {dimension_semantics = [], scalar_prefetch = 0 : i64, scratch_operands = 0 : i64, tpu.core_type = #tpu.core_type<tc>} {
    %get3A = arith.constant 0 : index
    %get3A_0 = arith.constant 0 : index
    %get3A_1 = vector.load %arg1[%get3A, %get3A_0] : memref<1x128xf32, #tpu.memory_space<vmem>>, vector<1x128xf32>
    %get3A_2 = arith.constant 0 : index
    %get3A_3 = arith.constant 0 : index
    %get3A_4 = vector.load %arg0[%get3A_2, %get3A_3] : memref<10000x128xf32, #tpu.memory_space<vmem>>, vector<10000x128xf32>
    %dot_general3A = arith.constant dense<0.000000e+00> : vector<1x10000xf32>
    %dot_general3A_5 = tpu.matmul %get3A_1, %get3A_4, %dot_general3A {dimension_numbers = #tpu.dot_dimension_numbers<[1], [1], [0], [0], [0, 0, 1, 0], [], []>, transpose_lhs_hint = false} : vector<1x128xf32>, vector<10000x128xf32>, vector<1x10000xf32> -> vector<1x10000xf32>
    %get3A_6 = arith.constant 0 : index
    %get3A_7 = vector.load %arg2[%get3A_6] : memref<1xf32, #tpu.memory_space<vmem>>, vector<1xf32>
    %broadcast_in_dim3A = vector.shape_cast %get3A_7 : vector<1xf32> to vector<1x1xf32>
    %add3A = vector.broadcast %broadcast_in_dim3A : vector<1x1xf32> to vector<1x10000xf32>
    %add3A_8 = arith.addf %dot_general3A_5, %add3A : vector<1x10000xf32>
    %swap3A = arith.constant 0 : index
    %swap3A_9 = arith.constant 0 : index
    %swap3A_10 = vector.load %arg3[%swap3A, %swap3A_9] : memref<1x10000xf32, #tpu.memory_space<vmem>>, vector<1x10000xf32>
    tpu.vector_store %arg3[%swap3A, %swap3A_9], %add3A_8 {strides = array<i32>} : memref<1x10000xf32, #tpu.memory_space<vmem>>, vector<1x10000xf32>,
    return
  }
}

</mosaic_0001>

<sc_bundles>
// kernel: kernel.6.cloned.1.call-start
scs
__scs_entry_jumppad:
0x0: {  	(pc) =	sbr.rel $0x88, $3  }
0x1: {  	(tag) =	ssettag $0x0;
	lr =	simm.s32 $0x1  }
0x2: {  	[smem:$0x3F9B] =	sst lr;
	_ =	strace $0xD0000000  }
0x3: {  	_ = 	snop  }
0x4: {  	_ = 	snop  }
0x5: {  	_ = 	snop  }
0x6: {  	_ = 	snop  }
0x7: {  	_ = 	snop  }
__scs_overlays_trampoline_lowered:
0x8: {  	[smem:$0x3FAA] =	sst s0  }
0x9: {  	[smem:$0x3FAB] =	sst s1  }
0xa: {  	[smem:$0x3FAC] =	sst s2  }
0xb: {  	[smem:$0x3FAD] =	sst s3  }
0xc: {  	[smem:$0x3FAE] =	sst s4  }
0xd: {  	[smem:$0x3FAF] =	sst s5  }
0xe: {  	[smem:$0x3FB0] =	sst s6  }
0xf: {  	[smem:$0x3FB1] =	sst s7  }
0x10: {  	[smem:$0x3FB2] =	sst s8  }
0x11: {  	[smem:$0x3FB3] =	sst s9;
	s0 =	simm.s32 @!p0 $0x0  }
0x12: {  	s1 =	sld [smem:$0x3F99];
	s0 =	simm.s32 @p0 $0x1  }
0x13: {  	[smem:$0x3FB4] =	sst s0;
	s0 =	simm.s32 @!p1 $0x0  }
0x14: {  	s2 =	sld [smem:$0x3F98];
	s0 =	simm.s32 @p1 $0x1  }
0x15: {  	[smem:$0x3FB5] =	sst s0;
	s0 =	simm.s32 @!p2 $0x0  }
0x16: {  	s3 =	sld [smem:$0x3FDB];
	s0 =	simm.s32 @p2 $0x1  }
0x17: {  	s4 =	simm.s32 $0x1BF5;
	[smem:$0x3FB7] =	sst s0  }
0x18: {  	s0 =	sld [smem:$0x3F9A];
	_ =	swait.ge [sflag:s4], $0x0  }
0x19: {  	s7 =	sld [smem:$0x3F9B]  }
0x1a: {  	s8 =	sadd.s32 $0xFFFFE003, lr  }
0x1b: {  	s9 =	sadd.s32 $0xFFFFFEF7, lr;
	s5 =	simm.s32 $0xFFFFFFFF;
	p2 =	slt.u32 s8, $0xFFFFF086  }
0x1c: {  	p1 =	slt.u32 s9, $0xF7A;
	s5 =	simm.s32 @!p2 $0x0  }
0x1d: {  	s5 =	simm.s32 @p1 $0x1;
	p0 =	seq.s32 s7, s2  }
0x1e: {  	s7 =	smul.u32 @!p0 $0xF7A, s2;
	p2 =	seq.s32 @!p0 s5, $0x0  }
0x1f: {  	s9 =	smul.u32 $0xF7A, s1;
	s8 =	simm.s32 @!p0 $0x1BF5;
	p2 =	por !p2, p0  }
0x20: {  	[sflag:s8] =	ssyncset.s32 @!p0 $0xFFFFF086;
	s6 =	sadd.s32 @!p0 s3, s7;
	s7 =	simm.s32 @!p0 $0x108  }
0x21: {  	s3 =	sadd.s32 s3, s9;
	s6 =	sadd.s32 @!p0 $0x88, s6;
	s7 =	simm.s32 @p2 $0x1082  }
0x22: {  	[simem:s7], [sflag:s8] =	dma.local @!p0 [hbm:s6], $0xF7A  }
0x23: {  	s9 =	sor.u32 $0xD0000000, s2;
	s6 =	simm.s32 $0x108;
	_ =	swait.ge @!p0 [sflag:s8], $0x0  }
0x24: {  	s3 =	sadd.s32 $0x88, s3;
	s6 =	simm.s32 @!p1 $0x1082;
	[sflag:s4] =	ssyncset.s32 $0xFFFFF086  }
0x25: {  	[simem:s6], [sflag:s4] =	dma.local [hbm:s3], $0xF7A  }
0x26: {  	[smem:$0x3F9B] =	sst s1;
	(tag) =	ssettag s2;
	_ =	strace s9  }
0x27: {  	s1 =	sld [smem:$0x3FAB]  }
0x28: {  	s2 =	sld [smem:$0x3FAC]  }
0x29: {  	s4 =	sld [smem:$0x3FAE]  }
0x2a: {  	p0 =	seq.s32 s5, $0x0;
	s5 =	sld [smem:$0x3FAF]  }
0x2b: {  	s6 =	sld [smem:$0x3FB0]  }
0x2c: {  	s7 =	sld [smem:$0x3FB1]  }
0x2d: {  	s3 =	simm.s32 $0x108;
	s8 =	sld [smem:$0x3FB2]  }
0x2e: {  	s3 =	simm.s32 @!p0 $0x1082;
	s9 =	sld [smem:$0x3FB3]  }
0x2f: {  	lr =	sadd.s32 s0, s3;
	s0 =	sld [smem:$0x3FAA]  }
0x30: {  	s3 =	sld [smem:$0x3FAD]  }
0x31: {  	[smem:$0x3FB6] =	sst s10  }
0x32: {  	s10 =	sld [smem:$0x3FB4];
	_ =	sdelay $0x3  }
0x33: {  	p0 =	seq.s32 s10, $0x1;
	s10 =	sld [smem:$0x3FB6];
	_ =	sdelay $0x3  }
0x34: {  	[smem:$0x3FB6] =	sst s10  }
0x35: {  	s10 =	sld [smem:$0x3FB5];
	_ =	sdelay $0x3  }
0x36: {  	p1 =	seq.s32 s10, $0x1;
	s10 =	sld [smem:$0x3FB6];
	_ =	sdelay $0x3  }
0x37: {  	[smem:$0x3FB6] =	sst s10  }
0x38: {  	s10 =	sld [smem:$0x3FB7]  }
0x39: {  	_ = 	snop;
	(pc) =	sbr.ind lr, $3  }
0x3a: {  	_ = 	snop  }
0x3b: {  	_ = 	snop  }
0x3c: {  	p2 =	seq.s32 s10, $0x1;
	s10 =	sld [smem:$0x3FB6]  }
0x3d: {  	_ =	shalt  }
0x3e: {  	_ =	shalt  }
0x3f: {  	_ =	shalt  }
0x40: {  	_ =	shalt  }
0x41: {  	_ =	shalt  }
0x42: {  	_ =	shalt  }
0x43: {  	_ =	shalt  }
0x44: {  	_ =	shalt  }
0x45: {  	_ =	shalt  }
0x46: {  	_ =	shalt  }
0x47: {  	_ =	shalt  }
0x48: {  	_ =	shalt  }
0x49: {  	_ =	shalt  }
0x4a: {  	_ =	shalt  }
0x4b: {  	_ =	shalt  }
0x4c: {  	_ =	shalt  }
0x4d: {  	_ =	shalt  }
0x4e: {  	_ =	shalt  }
0x4f: {  	_ =	shalt  }
0x50: {  	_ =	shalt  }
0x51: {  	_ =	shalt  }
0x52: {  	_ =	shalt  }
0x53: {  	_ =	shalt  }
0x54: {  	_ =	shalt  }
0x55: {  	_ =	shalt  }
0x56: {  	_ =	shalt  }
0x57: {  	_ =	shalt  }
0x58: {  	_ =	shalt  }
0x59: {  	_ =	shalt  }
0x5a: {  	_ =	shalt  }
0x5b: {  	_ =	shalt  }
0x5c: {  	_ =	shalt  }
0x5d: {  	_ =	shalt  }
0x5e: {  	_ =	shalt  }
0x5f: {  	_ =	shalt  }
0x60: {  	_ =	shalt  }
0x61: {  	_ =	shalt  }
0x62: {  	_ =	shalt  }
0x63: {  	_ =	shalt  }
0x64: {  	_ =	shalt  }
0x65: {  	_ =	shalt  }
0x66: {  	_ =	shalt  }
0x67: {  	_ =	shalt  }
0x68: {  	_ =	shalt  }
0x69: {  	_ =	shalt  }
0x6a: {  	_ =	shalt  }
0x6b: {  	_ =	shalt  }
0x6c: {  	_ =	shalt  }
0x6d: {  	_ =	shalt  }
0x6e: {  	_ =	shalt  }
0x6f: {  	_ =	shalt  }
0x70: {  	_ =	shalt  }
0x71: {  	_ =	shalt  }
0x72: {  	_ =	shalt  }
0x73: {  	_ =	shalt  }
0x74: {  	_ =	shalt  }
0x75: {  	_ =	shalt  }
0x76: {  	_ =	shalt  }
0x77: {  	_ =	shalt  }
0x78: {  	_ =	shalt  }
0x79: {  	_ =	shalt  }
0x7a: {  	_ =	shalt  }
0x7b: {  	_ =	shalt  }
0x7c: {  	_ =	shalt  }
0x7d: {  	_ =	shalt  }
0x7e: {  	_ =	shalt  }
0x7f: {  	_ =	shalt  }
0x80: {  	_ =	shalt  }
0x81: {  	_ =	shalt  }
0x82: {  	_ =	shalt  }
0x83: {  	_ =	shalt  }
0x84: {  	_ =	shalt  }
0x85: {  	_ =	shalt  }
0x86: {  	_ =	shalt  }
0x87: {  	_ =	shalt  }
.Lfunc_end0:
.L_simem_size_0:
called_computation_lowered:
.L_overlay_start_0:
0x88: {  	s2 =	sld [smem:$0x3FD9]  }
0x89: {  	s3 =	sld [smem:$0x3FFE];
	_ =	sdelay $0x1  }
0x8a: {  	s1 =	srdreg.scid  }
0x8b: {  	s0 =	sand.u32 $0x1, s1  }
0x8c: {  	s17 =	sshll.u32 s0, $0xA;
	s2 =	sadd.s32 s3, s2  }
0x8d: {  	s2 =	sadd.s32 s2, s17  }
0x8e: {  	[smem:$0x3FC2] =	sst s2  }
0x8f: {  	_ = 	snop  }
0x90: {  	s2 =	sld [smem:$0x3FC8]  }
0x91: {  	s18 =	sld [smem:$0x3FD0];
	(tm) =	ssettm $0x1  }
0x92: {  	s4 =	sld [smem:$0x3FFB];
	_ =	sdelay $0x3  }
0x93: {  	_ =	strace s4  }
0x94: {  	s4 =	sld [smem:$0x3FFC];
	_ =	sdelay $0x3  }
0x95: {  	_ =	strace s4  }
0x96: {  	s4 =	sld [smem:$0x3FFD];
	_ =	sdelay $0x3  }
0x97: {  	_ =	strace s4  }
0x98: {  	_ =	strace $0x8FFFFFFF  }
0x99: {  	s19 =	sld [smem:$0x3FDB];
	_ =	sdelay $0x1  }
0x9a: {  	s5 =	simm.s32 $_scs_section_size  }
0x9b: {  	s6 =	simm.s32 $_size__tile_overlayer_lowered;
	s7 =	simm.s32 $_tile_overlayer_lowered  }
0x9c: {  	s22 =	simm.s32 $0x1BFF;
	s21 =	sshll.u32 s7, $0x1;
	s4 =	sadd.s32 s5, s19  }
0x9d: {  	s8 =	simm.s32 $0x0;
	s20 =	sshll.u32 s6, $0x1;
	s6 =	sadd.s32 s21, s4  }
0x9e: {  	[timem:s8], [sflag:s22] =	dma.local [hbm:s6], s20  }
0x9f: {  	_ =	swait.ge [sflag:s22], s20  }
0xa0: {  	s5 =	ssub.s32 $0x0, s20;
	[sflag:s22] =	ssyncset.done $0x0  }
0xa1: {  	[sflag:s22] =	ssyncadd.s32 s5;
	_ =	sdelay $0x1  }
0xa2: {  	s23 =	simm.s32 $0x1B8B  }
0xa3: {  	_ =	swait.ge [sflag:s23], $0x1  }
0xa4: {  	[sflag:s23] =	ssyncset.done $0x0  }
0xa5: {  	s25 =	simm.s32 $0x1B8E;
	s24 =	sld [smem:$0x3FFE];
	[sflag:s23] =	ssyncadd.s32 $0xFFFFFFFF  }
0xa6: {  	s26 =	simm.s32 $execute0_lowered;
	[smem:$0x3FD2] =	sst s25  }
0xa7: {  	s6 =	sshll.u32 s26, $0x1;
	_ =	strace $0x80000046;
	[dreg:$0x1] =	wrdreg $0xFFFFFFFF  }
0xa8: {  	s28 =	simm.s32 $_size_execute0_lowered;
	s4 =	sadd.s32 s4, s6;
	[dreg:$0x0] =	wrdreg $0x0  }
0xa9: {  	s6 =	sshll.u32 s28, $0x1;
	[dreg:$0x2] =	wrdreg s4  }
0xaa: {  	[dreg:$0x3] =	wrdreg s6  }
0xab: {  	[dreg:$0x4] =	wrdreg $0xC0  }
0xac: {  	_ =	task [dreg:s8], $0x5FFFF  }
0xad: {  	[dreg:$0x1] =	wrdreg $0xFFFFFFFF  }
0xae: {  	[dreg:$0x0] =	wrdreg $0x60  }
0xaf: {  	[dreg:$0x2] =	wrdreg s18  }
0xb0: {  	[dreg:$0x3] =	wrdreg s2  }
0xb1: {  	[dreg:$0x4] =	wrdreg s24  }
0xb2: {  	[dreg:$0x5] =	wrdreg $0xA7800  }
0xb3: {  	[dreg:$0x6] =	wrdreg $0xAA000  }
0xb4: {  	[dreg:$0x7] =	wrdreg $0x9  }
0xb5: {  	_ =	task.clear_ibuf [dreg:s8], $0x8FFFF;
	_ =	strace $0x90000046  }
0xb6: {  	s29 =	simm.s32 $0x9;
	_ =	strace $0x80000048  }
0xb7: {  	_ =	swait.ge [sflag:s29], $0x1  }
0xb8: {  	[sflag:s29] =	ssyncadd.s32 $0xFFFFFFFF  }
0xb9: {  	_ =	strace $0x90000048  }
0xba: {  	_ =	sfence  }
0xbb: {  	s30 =	sld [smem:$0x0];
	_ =	sdelay $0x2  }
0xbc: {  	s31 =	sshll.u32 s1, $0xD;
	s1 =	sshrl.u32 s1, $0x2  }
0xbd: {  	s3 =	sand.u32 $0x4000, s31;
	s1 =	sadd.s32 s1, s30  }
0xbe: {  	s0 =	sor.u32 s3, s0;
	s1 =	sshll.u32 s1, $0x11  }
0xbf: {  	s0 =	sor.u32 s1, s0  }
0xc0: {  	s0 =	sadd.s32 $0x8F2B, s0  }
0xc1: {  	[sflag:s0] =	ssyncadd.remote.s32 $0x1  }
0xc2: {  	_ =	sfence.sel $0xFFFF  }
0xc3: {  	[dreg:$0x0] =	wrdreg $0xFFFFFFFF;
	(pc) =	sbr.abs _section_cstart, $3  }
0xc4: {  	[dreg:$0x1] =	wrdreg $0xFFFFFFFF  }
0xc5: {  	_ =	task.clear_ibuf [dreg:s8], $0x2FFFF;
	_ =	strace $0x9FFFFFFF  }
0xc6: {  	(tm) =	ssettm $0x7FFFFFFF  }
0xc7: {  	_ =	shalt  }
tec
execute0_lowered:
.L_overlay_start_1:
0x0: {  	(tag) =	ssettag $0x1  }
0x1: {  	s1 =	rddreg [dreg:$0x0]  }
0x2: {  	s8 =	rddreg [dreg:$0x1]  }
0x3: {  	s6 =	rddreg [dreg:$0x2]  }
0x4: {  	s3 =	rddreg [dreg:$0x3]  }
0x5: {  	s4 =	rddreg [dreg:$0x4]  }
0x6: {  	s0 =	rddreg [dreg:$0x5];
	s7 =	srdreg.scid  }
0x7: {  	s2 =	stileid.u32;
	s5 =	simm.s32 $0x0;
	s16 =	simm.s32 $0x2  }
0x8: {  	s17 =	simm.s32 $0x1;
	s18 =	simm.s32 $0x80;
	s19 =	simm.s32 $0xA200  }
0x9: {  	s20 =	simm.s32 $0x0;
	s7 =	sand.u32 $0x1, s7;
	s10 =	smul.u32 $0x280, s2  }
0xa: {  	[smem:$0x7FF] =	sst s5;
	s11 =	sshll.u32 s2, $0x1;
	p1 =	slt.u32 s2, $0xE  }
0xb: {  	s9 =	smul.u32 $0x2800, s7;
	_ =	strace $0x80000047;
	s12 =	ssub.s32 $0x2, s7  }
0xc: {  	s14 =	sor.u32 s7, s11;
	s7 =	sadd.s32 $0x13600, s8;
	s30 =	sshrl.u32 s12, $0x1  }
0xd: {  	s11 =	smul.u32 $0xA00, s14;
	s31 =	sshll.u32 s14, $0x5;
	p0 =	seq.s32 s14, $0x1F  }
.Ltmp0:
0xe: {  	s14 =	simm.s32 $0x7800;
	s9 =	sadd.s32 s10, s9;
	(pc) =	sbr.rel .LBB2_1-.Ltmp0, $4  }
0xf: {  	s15 =	ssub.s32 s12, s30;
	s29 =	sshrl.u32 s9, $0x3;
	s9 =	sadd.s32 s10, s3  }
0x10: {  	s13 =	sadd.s32 s29, s6;
	s6 =	sadd.s32 s8, s11;
	s8 =	sadd.s32 s31, s8  }
0x11: {  	s10 =	sadd.s32 s10, s4;
	s8 =	sadd.s32 $0x13480, s8;
	s11 =	sadd.s32 $0x1C00, s13  }
0x12: {  	v0 =	vimm.f32 $0.0e+00;
	v1 =	vimm.f32 $1.000000000e+00;
	s12 =	sadd.s32 $0x2600, s13;
	s13 =	smax.u32 s15, $0x1;
	s15 =	simm.s32 $0x9F80  }
.LBB2_6:
0x13: {  	v2 =	vld @!p1 [tilespmem:$0xA280];
	_ =	sdelay $0x5  }
0x14: {  	v3 =	vld @!p1 [tilespmem:$0xA290]  }
0x15: {  	s21 =	simm.s32 @!p1 $0x7800  }
0x16: {  	v2 =	vld.idx.msk @!p1 [tilespmem:v2+s21+$0x0], $0xffff;
	_ =	sdelay $0x3  }
0x17: {  	v4 =	vld @!p1 [tilespmem:$0xA2A0]  }
0x18: {  	[tilespmem:$0xA380] =	vst @!p1 v2  }
0x19: {  	v2 =	vld.idx.msk @!p1 [tilespmem:v3+s21+$0x0], $0xffff;
	_ =	sdelay $0x3  }
0x1a: {  	v3 =	vld @!p1 [tilespmem:$0xA2B0]  }
0x1b: {  	[tilespmem:$0xA390] =	vst @!p1 v2  }
0x1c: {  	v2 =	vld.idx.msk @!p1 [tilespmem:v4+s21+$0x0], $0xffff;
	_ =	sdelay $0x3  }
0x1d: {  	v4 =	vld @!p1 [tilespmem:$0xA2C0]  }
0x1e: {  	[tilespmem:$0xA3A0] =	vst @!p1 v2  }
0x1f: {  	v2 =	vld.idx.msk @!p1 [tilespmem:v3+s21+$0x0], $0xffff;
	_ =	sdelay $0x3  }
0x20: {  	v3 =	vld @!p1 [tilespmem:$0xA2D0]  }
0x21: {  	[tilespmem:$0xA3B0] =	vst @!p1 v2  }
0x22: {  	v2 =	vld.idx.msk @!p1 [tilespmem:v4+s21+$0x0], $0xffff;
	_ =	sdelay $0x3  }
0x23: {  	v4 =	vld @!p1 [tilespmem:$0xA2E0]  }
0x24: {  	[tilespmem:$0xA3C0] =	vst @!p1 v2  }
0x25: {  	v2 =	vld.idx.msk @!p1 [tilespmem:v3+s21+$0x0], $0xffff;
	_ =	sdelay $0x3  }
0x26: {  	v3 =	vld @!p1 [tilespmem:$0xA2F0]  }
0x27: {  	[tilespmem:$0xA3D0] =	vst @!p1 v2  }
0x28: {  	v2 =	vld.idx.msk @!p1 [tilespmem:v4+s21+$0x0], $0xffff;
	_ =	sdelay $0x4  }
0x29: {  	[tilespmem:$0xA3E0] =	vst @!p1 v2  }
0x2a: {  	v2 =	vld.idx.msk @!p1 [tilespmem:v3+s21+$0x0], $0xffff;
	_ =	sdelay $0x4  }
0x2b: {  	s22 =	simm.s32 @!p1 $0xA300;
	s23 =	simm.s32 @!p1 $0xA380;
	s21 =	simm.s32 @!p1 $0x80;
	[tilespmem:$0xA3F0] =	vst @!p1 v2  }
0x2c: {  	[spmem:s3] =	stream.indirect.scatter.add.f32 @!p1 [tilespmem:s23], [sflag:$0x1], $0x1, s22, s21, $0xb8;
	[tilespmem:$0xAC80] =	vst v63  }
0x2d: {  	s23 =	simm.s32 @!p1 $0xA200  }
0x2e: {  	[spmem:s4] =	stream.indirect.scatter.add.f32 @!p1 [tilespmem:s23], [sflag:$0x1], $0x1, s22, s21, $0xb8;
	[tilespmem:$0xAC80] =	vst v63  }
0x2f: {  	s21 =	simm.s32 @p0 $0x1  }
0x30: {  	_ =	swait.ge @p0 [sflag:s21], $0x800  }
0x31: {  	[sflag:s21] =	ssyncset.done @p0 $0x0  }
0x32: {  	[sflag:s21] =	ssyncadd.s32 @p0 $0xFFFFF800  }
0x33: {  	_ =	swait.ge @p0 [sflag:s21], $0x800  }
0x34: {  	[sflag:s21] =	ssyncset.done @p0 $0x0  }
0x35: {  	[sflag:s21] =	ssyncadd.s32 @p0 $0xFFFFF800;
	s21 =	simm.s32 @!p0 $0x1  }
0x36: {  	_ =	swait.ge @!p0 [sflag:s21], $0x2800  }
0x37: {  	[sflag:s21] =	ssyncset.done @!p0 $0x0  }
0x38: {  	[sflag:s21] =	ssyncadd.s32 @!p0 $0xFFFFD800  }
0x39: {  	_ =	swait.ge @!p0 [sflag:s21], $0x2800  }
0x3a: {  	[sflag:s21] =	ssyncset.done @!p0 $0x0  }
0x3b: {  	[sflag:s21] =	ssyncadd.s32 @!p0 $0xFFFFD800;
	s21 =	simm.s32 @!p1 $0x1  }
0x3c: {  	_ =	swait.ge @!p1 [sflag:s21], $0x80  }
0x3d: {  	[sflag:s21] =	ssyncset.done @!p1 $0x0  }
0x3e: {  	[sflag:s21] =	ssyncadd.s32 @!p1 $0xFFFFFF80  }
0x3f: {  	_ =	swait.ge @!p1 [sflag:s21], $0x80  }
0x40: {  	[sflag:s21] =	ssyncset.done @!p1 $0x0  }
0x41: {  	s29 =	sshll.u32 s2, $0x6;
	[sflag:s21] =	ssyncadd.s32 @!p1 $0xFFFFFF80  }
0x42: {  	s30 =	sshrl.u32 s9, $0x3;
	s21 =	sor.u32 $0x1C02, s29;
	[bflag:$0x0] =	sbarrier.arrive $0xFFFF  }
0x43: {  	[hbm:s11], [sflag:s21] =	dma.local [spmem:s30], $0x50  }
0x44: {  	s20 =	sadd.s32 $0x1, s20;
	_ =	swait.ge [sflag:s16], $0x50  }
0x45: {  	p2 =	sne.s32 s20, s13;
	[sflag:s16] =	ssyncset.done $0x0  }
.Ltmp1:
0x46: {  	s31 =	sshrl.u32 s10, $0x3;
	[sflag:s16] =	ssyncadd.s32 $0xFFFFFFB0;
	(pc) =	sbr.rel @!p2 .LBB2_7-.Ltmp1, $4  }
0x47: {  	[hbm:s12], [sflag:s21] =	dma.local [spmem:s31], $0x50  }
0x48: {  	_ =	swait.ge [sflag:s16], $0x50  }
0x49: {  	[sflag:s16] =	ssyncset.done $0x0  }
0x4a: {  	[sflag:s16] =	ssyncadd.s32 $0xFFFFFFB0  }
.LBB2_1:
0x4b: {  	[tilespmem:$0x9F80] =	vst v0  }
0x4c: {  	[tilespmem:$0x9F90] =	vst v0  }
0x4d: {  	[tilespmem:$0x9FA0] =	vst v0  }
0x4e: {  	[tilespmem:$0x9FB0] =	vst v0  }
0x4f: {  	[tilespmem:$0x9FC0] =	vst v0  }
0x50: {  	[tilespmem:$0x9FD0] =	vst v0  }
0x51: {  	[tilespmem:$0x9FE0] =	vst v0  }
0x52: {  	[tilespmem:$0x9FF0] =	vst v0  }
0x53: {  	[tilespmem:$0xA000] =	vst v0  }
0x54: {  	[tilespmem:$0xA010] =	vst v0  }
0x55: {  	[tilespmem:$0xA020] =	vst v0  }
0x56: {  	[tilespmem:$0xA030] =	vst v0  }
0x57: {  	[tilespmem:$0xA040] =	vst v0  }
0x58: {  	[tilespmem:$0xA050] =	vst v0  }
0x59: {  	[tilespmem:$0xA060] =	vst v0  }
0x5a: {  	[tilespmem:$0xA070] =	vst v0  }
0x5b: {  	[tilespmem:$0xA080] =	vst v0  }
0x5c: {  	[tilespmem:$0xA090] =	vst v0  }
0x5d: {  	[tilespmem:$0xA0A0] =	vst v0  }
0x5e: {  	[tilespmem:$0xA0B0] =	vst v0  }
0x5f: {  	[tilespmem:$0xA0C0] =	vst v0  }
0x60: {  	[tilespmem:$0xA0D0] =	vst v0  }
0x61: {  	[tilespmem:$0xA0E0] =	vst v0  }
0x62: {  	[tilespmem:$0xA0F0] =	vst v0  }
0x63: {  	[tilespmem:$0xA100] =	vst v0  }
0x64: {  	[tilespmem:$0xA110] =	vst v0  }
0x65: {  	[tilespmem:$0xA120] =	vst v0  }
0x66: {  	[tilespmem:$0xA130] =	vst v0  }
0x67: {  	[tilespmem:$0xA140] =	vst v0  }
0x68: {  	[tilespmem:$0xA150] =	vst v0  }
0x69: {  	[tilespmem:$0xA160] =	vst v0  }
0x6a: {  	[tilespmem:$0xA170] =	vst v0  }
0x6b: {  	[tilespmem:$0xA180] =	vst v0  }
0x6c: {  	[tilespmem:$0xA190] =	vst v0  }
0x6d: {  	[tilespmem:$0xA1A0] =	vst v0  }
0x6e: {  	[tilespmem:$0xA1B0] =	vst v0  }
0x6f: {  	[tilespmem:$0xA1C0] =	vst v0  }
0x70: {  	[tilespmem:$0xA1D0] =	vst v0  }
0x71: {  	[tilespmem:$0xA1E0] =	vst v0  }
0x72: {  	[tilespmem:$0xA1F0] =	vst v0  }
0x73: {  	[tilespmem:$0xA200] =	vst v1  }
0x74: {  	[tilespmem:$0xA210] =	vst v1  }
0x75: {  	[tilespmem:$0xA220] =	vst v1  }
0x76: {  	[tilespmem:$0xA230] =	vst v1  }
0x77: {  	[tilespmem:$0xA240] =	vst v1  }
0x78: {  	[tilespmem:$0xA250] =	vst v1  }
0x79: {  	[tilespmem:$0xA260] =	vst v1  }
0x7a: {  	[tilespmem:$0xA270] =	vst v1  }
0x7b: {  	[tilespmem:s14], [sflag:$0x1] =	stream.linear.gather [hbm4b:s1+s5], $0x2780, $0x38;
	[tilespmem:$0xAC80] =	vst v63  }
0x7c: {  	s21 =	simm.s32 @p0 $0x0  }
0x7d: {  	[tilespmem:s21], [sflag:$0x1] =	stream.linear.gather @p0 [hbm4b:s7+s21], $0x1000, $0x38;
	[tilespmem:$0xAC80] =	vst v63  }
0x7e: {  	s21 =	simm.s32 @!p0 $0x0  }
0x7f: {  	[tilespmem:s21], [sflag:$0x1] =	stream.linear.gather @!p0 [hbm4b:s6+s21], $0x5000, $0x38;
	[tilespmem:$0xAC80] =	vst v63  }
0x80: {  	s22 =	simm.s32 @!p1 $0xA280;
	s21 =	simm.s32 @!p1 $0x0  }
0x81: {  	[tilespmem:s22], [sflag:$0x1] =	stream.linear.gather @!p1 [hbm4b:s8+s21], $0x100, $0x38;
	[tilespmem:$0xAC80] =	vst v63  }
0x82: {  	_ = 	snop  }
0x83: {  	[spmem:s9] =	stream.linear.scatter [tilespmem:s15], [sflag:$0x2], $0x280, $0x38;
	[tilespmem:$0xAC80] =	vst v63  }
0x84: {  	_ =	swait.ge [sflag:s16], $0x280  }
0x85: {  	[sflag:s16] =	ssyncset.done $0x0  }
0x86: {  	[sflag:s16] =	ssyncadd.s32 $0xFFFFFD80  }
0x87: {  	[spmem:s10] =	stream.linear.scatter [tilespmem:s15], [sflag:$0x2], $0x280, $0x38;
	[tilespmem:$0xAC80] =	vst v63  }
0x88: {  	_ =	swait.ge [sflag:s16], $0x280  }
0x89: {  	[sflag:s16] =	ssyncset.done $0x0  }
0x8a: {  	[sflag:s16] =	ssyncadd.s32 $0xFFFFFD80  }
0x8b: {  	_ =	swait.ge [sflag:s17], $0x2780  }
0x8c: {  	[sflag:s17] =	ssyncset.done $0x0  }
0x8d: {  	s21 =	simm.s32 @p0 $0x1;
	[sflag:s17] =	ssyncadd.s32 $0xFFFFD880  }
0x8e: {  	_ =	swait.ge @p0 [sflag:s21], $0x1000  }
0x8f: {  	[sflag:s21] =	ssyncset.done @p0 $0x0  }
0x90: {  	[sflag:s21] =	ssyncadd.s32 @p0 $0xFFFFF000;
	s21 =	simm.s32 @!p0 $0x1  }
0x91: {  	_ =	swait.ge @!p0 [sflag:s21], $0x5000  }
0x92: {  	[sflag:s21] =	ssyncset.done @!p0 $0x0  }
0x93: {  	[sflag:s21] =	ssyncadd.s32 @!p0 $0xFFFFB000;
	s21 =	simm.s32 @!p1 $0x1  }
0x94: {  	_ =	swait.ge @!p1 [sflag:s21], $0x100  }
0x95: {  	[sflag:s21] =	ssyncset.done @!p1 $0x0  }
0x96: {  	[sflag:s21] =	ssyncadd.s32 @!p1 $0xFFFFFF00  }
0x97: {  	s22 =	simm.s32 $0x0;
	s21 =	simm.s32 $0x80;
	[bflag:$0x0] =	sbarrier.arrive $0xFFFF  }
.LBB2_2:
0x98: {  	v2 =	vld [tilespmem:s21+$0xFFFFFF80];
	_ =	sdelay $0x7  }
0x99: {  	v2 =	vld.idx.msk [tilespmem:v2+s14+$0x0], $0xffff;
	_ =	sdelay $0x3  }
0x9a: {  	s23 =	sshra.s32 s22, $0x2  }
0x9b: {  	[tilespmem:s23+$0x5000] =	vst v2  }
0x9c: {  	v2 =	vld [tilespmem:s21+$0xFFFFFF90];
	_ =	sdelay $0x7  }
0x9d: {  	v2 =	vld.idx.msk [tilespmem:v2+s14+$0x0], $0xffff;
	_ =	sdelay $0x4  }
0x9e: {  	[tilespmem:s23+$0x5010] =	vst v2  }
0x9f: {  	v2 =	vld [tilespmem:s21+$0xFFFFFFA0];
	_ =	sdelay $0x7  }
0xa0: {  	v2 =	vld.idx.msk [tilespmem:v2+s14+$0x0], $0xffff;
	_ =	sdelay $0x4  }
0xa1: {  	[tilespmem:s23+$0x5020] =	vst v2  }
0xa2: {  	v2 =	vld [tilespmem:s21+$0xFFFFFFB0];
	_ =	sdelay $0x7  }
0xa3: {  	v2 =	vld.idx.msk [tilespmem:v2+s14+$0x0], $0xffff;
	_ =	sdelay $0x4  }
0xa4: {  	[tilespmem:s23+$0x5030] =	vst v2  }
0xa5: {  	v2 =	vld [tilespmem:s21+$0xFFFFFFC0];
	_ =	sdelay $0x7  }
0xa6: {  	v2 =	vld.idx.msk [tilespmem:v2+s14+$0x0], $0xffff;
	_ =	sdelay $0x4  }
0xa7: {  	[tilespmem:s23+$0x5040] =	vst v2  }
0xa8: {  	v2 =	vld [tilespmem:s21+$0xFFFFFFD0];
	_ =	sdelay $0x7  }
0xa9: {  	v2 =	vld.idx.msk [tilespmem:v2+s14+$0x0], $0xffff;
	_ =	sdelay $0x4  }
0xaa: {  	[tilespmem:s23+$0x5050] =	vst v2  }
0xab: {  	v2 =	vld [tilespmem:s21+$0xFFFFFFE0];
	_ =	sdelay $0x7  }
0xac: {  	v2 =	vld.idx.msk [tilespmem:v2+s14+$0x0], $0xffff;
	_ =	sdelay $0x4  }
0xad: {  	[tilespmem:s23+$0x5060] =	vst v2  }
0xae: {  	v2 =	vld [tilespmem:s21+$0xFFFFFFF0];
	_ =	sdelay $0x7  }
0xaf: {  	v2 =	vld.idx.msk [tilespmem:v2+s14+$0x0], $0xffff;
	_ =	sdelay $0x3  }
0xb0: {  	p2 =	sne.s32 s22, $0x1E00  }
.Ltmp2:
0xb1: {  	s24 =	sadd.s32 $0x5000, s23;
	[tilespmem:s23+$0x5070] =	vst v2;
	(pc) =	sbr.rel @p2 .LBB2_2-.Ltmp2, $4  }
0xb2: {  	[spmem:s3] =	stream.indirect.scatter.add.f32 [tilespmem:s24], [sflag:$0x1], $0x1, s21, s18, $0xb8;
	[tilespmem:$0xAC80] =	vst v63  }
0xb3: {  	_ = 	snop  }
0xb4: {  	[spmem:s4] =	stream.indirect.scatter.add.f32 [tilespmem:s19], [sflag:$0x1], $0x1, s21, s18, $0xb8;
	[tilespmem:$0xAC80] =	vst v63  }
0xb5: {  	s22 =	sadd.s32 $0x200, s22;
	s21 =	sadd.s32 $0x100, s21  }
.Ltmp3:
0xb6: {  	(pc) =	sbr.rel @p0 .LBB2_6-.Ltmp3, $1  }
0xb7: {  	_ =	sdelay $0x3  }
0xb8: {  	s21 =	simm.s32 $0xFFFF0000;
	s22 =	simm.s32 $0x5800  }
.LBB2_5:
0xb9: {  	s23 =	sshra.s32 s21, $0x2  }
0xba: {  	v2 =	vld [tilespmem:s23+$0x5000];
	_ =	sdelay $0x7  }
0xbb: {  	v2 =	vld.idx.msk [tilespmem:v2+s14+$0x0], $0xffff;
	_ =	sdelay $0x4  }
0xbc: {  	[tilespmem:s22+$0x0] =	vst v2  }
0xbd: {  	v2 =	vld [tilespmem:s23+$0x5010];
	_ =	sdelay $0x7  }
0xbe: {  	v2 =	vld.idx.msk [tilespmem:v2+s14+$0x0], $0xffff;
	_ =	sdelay $0x4  }
0xbf: {  	[tilespmem:s22+$0x10] =	vst v2  }
0xc0: {  	v2 =	vld [tilespmem:s23+$0x5020];
	_ =	sdelay $0x7  }
0xc1: {  	v2 =	vld.idx.msk [tilespmem:v2+s14+$0x0], $0xffff;
	_ =	sdelay $0x4  }
0xc2: {  	[tilespmem:s22+$0x20] =	vst v2  }
0xc3: {  	v2 =	vld [tilespmem:s23+$0x5030];
	_ =	sdelay $0x7  }
0xc4: {  	v2 =	vld.idx.msk [tilespmem:v2+s14+$0x0], $0xffff;
	_ =	sdelay $0x4  }
0xc5: {  	[tilespmem:s22+$0x30] =	vst v2  }
0xc6: {  	v2 =	vld [tilespmem:s23+$0x5040];
	_ =	sdelay $0x7  }
0xc7: {  	v2 =	vld.idx.msk [tilespmem:v2+s14+$0x0], $0xffff;
	_ =	sdelay $0x4  }
0xc8: {  	[tilespmem:s22+$0x40] =	vst v2  }
0xc9: {  	v2 =	vld [tilespmem:s23+$0x5050];
	_ =	sdelay $0x7  }
0xca: {  	v2 =	vld.idx.msk [tilespmem:v2+s14+$0x0], $0xffff;
	_ =	sdelay $0x4  }
0xcb: {  	[tilespmem:s22+$0x50] =	vst v2  }
0xcc: {  	v2 =	vld [tilespmem:s23+$0x5060];
	_ =	sdelay $0x7  }
0xcd: {  	v2 =	vld.idx.msk [tilespmem:v2+s14+$0x0], $0xffff;
	_ =	sdelay $0x4  }
0xce: {  	[tilespmem:s22+$0x60] =	vst v2  }
0xcf: {  	v2 =	vld [tilespmem:s23+$0x5070];
	_ =	sdelay $0x7  }
0xd0: {  	v2 =	vld.idx.msk [tilespmem:v2+s14+$0x0], $0xffff;
	_ =	sdelay $0x2  }
0xd1: {  	p2 =	sne.s32 s21, $0xFFFFFC00  }
.Ltmp4:
0xd2: {  	_ = 	snop;
	(pc) =	sbr.rel @p2 .LBB2_5-.Ltmp4, $4  }
0xd3: {  	s23 =	sadd.s32 $0x5080, s23;
	[tilespmem:s22+$0x70] =	vst v2  }
0xd4: {  	[spmem:s3] =	stream.indirect.scatter.add.f32 [tilespmem:s22], [sflag:$0x1], $0x1, s23, s18, $0xb8;
	[tilespmem:$0xAC80] =	vst v63  }
0xd5: {  	s21 =	sadd.s32 $0x400, s21;
	s22 =	sadd.s32 $0x80, s22  }
0xd6: {  	[spmem:s4] =	stream.indirect.scatter.add.f32 [tilespmem:s19], [sflag:$0x1], $0x1, s23, s18, $0xb8;
	[tilespmem:$0xAC80] =	vst v63  }
.Ltmp5:
0xd7: {  	_ = 	snop;
	(pc) =	sbr.rel .LBB2_6-.Ltmp5, $1  }
0xd8: {  	_ =	sdelay $0x3  }
.LBB2_7:
0xd9: {  	_ =	sfence.sel $0x180000  }
0xda: {  	[bflag:$0x0] =	sbarrier.arrive $0xFFFF  }
0xdb: {  	p0 =	sne.s32 s2, $0x0;
	_ =	strace $0x90000047  }
0xdc: {  	s0 =	sadd.s32 @!p0 $0x100000, s0;
	[bflag:$0x2] =	sbarrier.arrive $0xFFFF  }
0xdd: {  	[sflag:s0] =	ssyncadd.tile.s32 @!p0 $0x1;
	_ =	shalt  }
.Lfunc_end2:
_tile_overlayer_lowered:
.L_overlay_start_2:
0xde: {  	(tag) =	ssettag $0x2  }
0xdf: {  	s0 =	rddreg [dreg:$0x0];
	s2 =	stileid.u32  }
0xe0: {  	s1 =	rddreg [dreg:$0x1];
	p0 =	sne.s32 s2, $0x0  }
0xe1: {  	s3 =	rddreg [dreg:$0x2];
	[bflag:$0x3] =	sbarrier.arrive $0xFFFF;
	s2 =	simm.s32 @!p0 $0x1C02  }
0xe2: {  	[timem:s3], [sflag:s2] =	dma.local @!p0 [hbm:s0], s1  }
0xe3: {  	s0 =	simm.s32 @!p0 $0x2  }
0xe4: {  	_ =	swait.ge @!p0 [sflag:s0], s1  }
0xe5: {  	s1 =	ssub.s32 @!p0 $0x0, s1;
	[sflag:s0] =	ssyncset.done @!p0 $0x0  }
0xe6: {  	[sflag:s0] =	ssyncadd.s32 @!p0 s1  }
0xe7: {  	[bflag:$0x3] =	sbarrier.arrive $0xFFFF  }
0xe8: {  	_ =	shalt  }

</sc_bundles>
